<compile_context>
chip_gen: v7x
topology: tpu7x:2x2x1
jax: 0.10.2.dev20260603
libtpu: 0.0.44.dev20260713+nightly
codegen_flags: <defaults>
</compile_context>

<pallas_src>
import functools
import math

import jax
import jax.numpy as jnp
from jax import lax
from jax.experimental import pallas as pl
from jax.experimental.pallas import tpu as pltpu
from jax.experimental.pallas import tpu_sc as plsc

D_MODEL = 64
SCALE = math.sqrt(D_MODEL)
CHUNK = 128
NBUF = 4


@functools.lru_cache(maxsize=None)
def _build(B: int, V: int):
    info = plsc.get_sparse_core_info()
    NC, NS, L = info.num_cores, info.num_subcores, info.num_lanes
    NW = NC * NS
    assert B % (NW * CHUNK) == 0
    R = B // (NW * CHUNK)
    assert R % NBUF == 0 and R > NBUF
    G = R // NBUF
    H = CHUNK // 2
    mesh = plsc.VectorSubcoreMesh(core_axis_name="c", subcore_axis_name="s")

    @functools.partial(
        pl.kernel,
        mesh=mesh,
        out_type=jax.ShapeDtypeStruct((B // 2, 2 * D_MODEL), jnp.float32),
        compiler_params=pltpu.CompilerParams(use_tc_tiling_on_sc=False),
        scratch_types=[
            pltpu.VMEM((R, CHUNK), jnp.int32),
            pltpu.VMEM((NBUF, CHUNK, D_MODEL), jnp.float32),
            pltpu.VMEM((NBUF, H, 2 * D_MODEL), jnp.float32),
            pltpu.SemaphoreType.DMA,
            pltpu.SemaphoreType.DMA,
        ],
    )
    def k(table_hbm, idx_hbm, out_hbm, idx_v, rows_v, obuf_v, gsem, osem):
        wid = lax.axis_index("s") * NC + lax.axis_index("c")
        r0 = wid * R
        pltpu.sync_copy(idx_hbm.at[pl.ds(r0, R)], idx_v)

        def gather(j, b):
            pltpu.async_copy(table_hbm.at[idx_v.at[j]], rows_v.at[b], gsem)

        def wait_gather(j, b):
            pltpu.make_async_copy(
                table_hbm.at[idx_v.at[j]], rows_v.at[b], gsem
            ).wait()

        def drain_one_out(b):
            pltpu.make_async_copy(
                obuf_v.at[b], out_hbm.at[pl.ds(0, H)], osem
            ).wait()

        def scale_repack(b):
            def pair_body(t, _):
                for h in range(2):
                    for c in range(D_MODEL // L):
                        obuf_v[b, t, pl.ds(h * D_MODEL + c * L, L)] = (
                            rows_v[b, 2 * t + h, pl.ds(c * L, L)] * SCALE
                        )
                return ()

            lax.fori_loop(0, H, pair_body, ())

        for b in range(NBUF):
            gather(b, b)

        def group_body(g, _):
            for b in range(NBUF):
                j = g * NBUF + b
                wait_gather(j, b)
                @pl.when(g >= 1)
                def _():
                    drain_one_out(b)

                scale_repack(b)
                @pl.when(g < G - 1)
                def _():
                    gather(j + NBUF, b)

                pltpu.async_copy(
                    obuf_v.at[b], out_hbm.at[pl.ds((r0 + j) * H, H)], osem
                )
            return ()

        lax.fori_loop(0, G, group_body, ())

        for b in range(NBUF):
            drain_one_out(b)

    return k


def kernel(x, table):
    B = x.shape[0] * x.shape[1]
    idx = x.reshape(B // CHUNK, CHUNK).astype(jnp.int32)
    out2 = _build(B, table.shape[0])(table, idx)
    return out2.reshape(x.shape + (D_MODEL,))

# --- scband reference (transcript-rebuilt; emitter-appended) ---
"""Pipeline reference for scband-embeddings-17867063951364 (READ-ONLY COPY).

The authoritative reference and input builder live on the scoring server;
editing this copy changes nothing except your own understanding.
"""

import jax, jax.numpy as jnp
import numpy as np
import math

VOCAB = 1000000
D_MODEL = 64

def setup_inputs(seed: int = 0) -> dict:
    key = jax.random.key(seed)
    k1, k2 = jax.random.split(key)
    x = jax.random.randint(k1, (16384, 50), 0, VOCAB, dtype=jnp.int64 if jax.config.jax_enable_x64 else jnp.int32)
    table = jax.random.normal(k2, (VOCAB, D_MODEL), dtype=jnp.float32)
    return {"x": x, "table": table}

def reference(x, table):
    # Embedding lookup followed by scaling by sqrt(d_model)
    emb = jnp.take(table, x, axis=0)
    return emb * math.sqrt(D_MODEL)

if __name__ == "__main__":
    import jax
    _d = setup_inputs()
    print(jax.jit(kernel)(*tuple(_d.values())))

</pallas_src>

<mosaic_0001>
#map = affine_map<(d0, d1) -> (0, 0)>
module attributes {stable_mosaic.version = 14 : i64} {
  func.func @k(%arg0: i32, %arg1: i32, %arg2: memref<1000000x64xf32, #tpu.memory_space<hbm>>, %arg3: memref<6400x128xi32, #tpu.memory_space<hbm>>, %arg4: memref<409600x128xf32, #tpu.memory_space<hbm>>, %arg5: memref<200x128xi32, #tpu.memory_space<vmem>>, %arg6: memref<4x128x64xf32, #tpu.memory_space<vmem>>, %arg7: memref<4x64x128xf32, #tpu.memory_space<vmem>>, %arg8: memref<!tpu.dma_semaphore, #tpu.memory_space<semaphore_mem>>, %arg9: memref<!tpu.dma_semaphore, #tpu.memory_space<semaphore_mem>>) attributes {dimension_semantics = [#tpu.dimension_semantics<core_parallel>, #tpu.dimension_semantics<subcore_parallel>], iteration_bounds = array<i64: 2, 16>, scalar_prefetch = 0 : i64, scratch_operands = 5 : i64, tpu.core_type = #tpu.core_type<sc_vector_subcore>, window_params = [{transform_indices = #map}, {transform_indices = #map}, {transform_indices = #map}]} {
    %mul3A = arith.constant 2 : i32
    %mul3A_0 = arith.muli %arg1, %mul3A : i32
    %add3A = arith.addi %mul3A_0, %arg0 : i32
    %mul3A_1 = arith.constant 200 : i32
    %mul3A_2 = arith.muli %add3A, %mul3A_1 : i32
    "tpu.region"() ({
      %run_scoped3A = tpu.sem_alloc : memref<!tpu.dma_semaphore, #tpu.memory_space<semaphore_mem>>
      %dma_start3A_113 = arith.constant 0 : i32
      %dma_start3A_114 = tpu.memref_slice %arg3[%mul3A_2, %dma_start3A_113] : memref<6400x128xi32, #tpu.memory_space<hbm>> -> memref<200x128xi32, #tpu.memory_space<hbm>>
      %dma_start3A_115 = arith.constant 0 : i32
      %dma_start3A_116 = tpu.memref_slice %arg3[%mul3A_2, %dma_start3A_115] : memref<6400x128xi32, #tpu.memory_space<hbm>> -> memref<200x128xi32, #tpu.memory_space<hbm>>
      tpu.enqueue_dma source(%dma_start3A_116 : memref<200x128xi32, #tpu.memory_space<hbm>>) target(%arg5 : memref<200x128xi32, #tpu.memory_space<vmem>>) target_semaphore(%run_scoped3A : memref<!tpu.dma_semaphore, #tpu.memory_space<semaphore_mem>>)
      %dma_wait3A_117 = arith.constant 0 : i32
      %dma_wait3A_118 = tpu.memref_slice %arg3[%mul3A_2, %dma_wait3A_117] : memref<6400x128xi32, #tpu.memory_space<hbm>> -> memref<200x128xi32, #tpu.memory_space<hbm>>
      %dma_wait3A_119 = arith.constant 0 : i32
      %dma_wait3A_120 = tpu.memref_slice %arg3[%mul3A_2, %dma_wait3A_119] : memref<6400x128xi32, #tpu.memory_space<hbm>> -> memref<200x128xi32, #tpu.memory_space<hbm>>
      tpu.wait_dma2 semaphore(%run_scoped3A : memref<!tpu.dma_semaphore, #tpu.memory_space<semaphore_mem>>) src(%dma_wait3A_120 : memref<200x128xi32, #tpu.memory_space<hbm>>) dst(%arg5 : memref<200x128xi32, #tpu.memory_space<vmem>>)
      tpu.yield
    }) : () -> ()
    %dma_start3A = arith.constant 0 : i32
    %dma_start3A_3 = arith.constant 0 : i32
    %dma_start3A_4 = arith.constant 0 : i32
    %dma_start3A_5 = arith.constant 0 : i32
    %dma_start3A_6 = tpu.memref_slice %arg6[%dma_start3A_3, %dma_start3A_4, %dma_start3A_5] : memref<4x128x64xf32, #tpu.memory_space<vmem>> -> memref<1x128x64xf32, #tpu.memory_space<vmem>>
    %dma_start3A_7 = tpu.memref_squeeze %dma_start3A_6 : memref<1x128x64xf32, #tpu.memory_space<vmem>> -> memref<128x64xf32, #tpu.memory_space<vmem>>
    %dma_start3A_8 = arith.constant 0 : i32
    %dma_start3A_9 = tpu.memref_slice %arg5[%dma_start3A, %dma_start3A_8] : memref<200x128xi32, #tpu.memory_space<vmem>> -> memref<1x128xi32, #tpu.memory_space<vmem>>
    %dma_start3A_10 = tpu.memref_squeeze %dma_start3A_9 : memref<1x128xi32, #tpu.memory_space<vmem>> -> memref<128xi32, #tpu.memory_space<vmem>>
    %dma_start3A_11 = arith.constant 0 : i32
    %dma_start3A_12 = arith.constant 0 : i32
    %dma_start3A_13 = tpu.memref_slice %arg2[%dma_start3A_11, %dma_start3A_12] : memref<1000000x64xf32, #tpu.memory_space<hbm>> -> memref<1000000x64xf32, #tpu.memory_space<hbm>>
    tpu.enqueue_indirect_dma source(%dma_start3A_13 : memref<1000000x64xf32, #tpu.memory_space<hbm>>) target(%dma_start3A_7 : memref<128x64xf32, #tpu.memory_space<vmem>>) offsets(%dma_start3A_10 : memref<128xi32, #tpu.memory_space<vmem>>) semaphore(%arg8 : memref<!tpu.dma_semaphore, #tpu.memory_space<semaphore_mem>>)
    %dma_start3A_14 = arith.constant 1 : i32
    %dma_start3A_15 = arith.constant 1 : i32
    %dma_start3A_16 = arith.constant 0 : i32
    %dma_start3A_17 = arith.constant 0 : i32
    %dma_start3A_18 = tpu.memref_slice %arg6[%dma_start3A_15, %dma_start3A_16, %dma_start3A_17] : memref<4x128x64xf32, #tpu.memory_space<vmem>> -> memref<1x128x64xf32, #tpu.memory_space<vmem>>
    %dma_start3A_19 = tpu.memref_squeeze %dma_start3A_18 : memref<1x128x64xf32, #tpu.memory_space<vmem>> -> memref<128x64xf32, #tpu.memory_space<vmem>>
    %dma_start3A_20 = arith.constant 0 : i32
    %dma_start3A_21 = tpu.memref_slice %arg5[%dma_start3A_14, %dma_start3A_20] : memref<200x128xi32, #tpu.memory_space<vmem>> -> memref<1x128xi32, #tpu.memory_space<vmem>>
    %dma_start3A_22 = tpu.memref_squeeze %dma_start3A_21 : memref<1x128xi32, #tpu.memory_space<vmem>> -> memref<128xi32, #tpu.memory_space<vmem>>
    %dma_start3A_23 = arith.constant 0 : i32
    %dma_start3A_24 = arith.constant 0 : i32
    %dma_start3A_25 = tpu.memref_slice %arg2[%dma_start3A_23, %dma_start3A_24] : memref<1000000x64xf32, #tpu.memory_space<hbm>> -> memref<1000000x64xf32, #tpu.memory_space<hbm>>
    tpu.enqueue_indirect_dma source(%dma_start3A_25 : memref<1000000x64xf32, #tpu.memory_space<hbm>>) target(%dma_start3A_19 : memref<128x64xf32, #tpu.memory_space<vmem>>) offsets(%dma_start3A_22 : memref<128xi32, #tpu.memory_space<vmem>>) semaphore(%arg8 : memref<!tpu.dma_semaphore, #tpu.memory_space<semaphore_mem>>)
    %dma_start3A_26 = arith.constant 2 : i32
    %dma_start3A_27 = arith.constant 2 : i32
    %dma_start3A_28 = arith.constant 0 : i32
    %dma_start3A_29 = arith.constant 0 : i32
    %dma_start3A_30 = tpu.memref_slice %arg6[%dma_start3A_27, %dma_start3A_28, %dma_start3A_29] : memref<4x128x64xf32, #tpu.memory_space<vmem>> -> memref<1x128x64xf32, #tpu.memory_space<vmem>>
    %dma_start3A_31 = tpu.memref_squeeze %dma_start3A_30 : memref<1x128x64xf32, #tpu.memory_space<vmem>> -> memref<128x64xf32, #tpu.memory_space<vmem>>
    %dma_start3A_32 = arith.constant 0 : i32
    %dma_start3A_33 = tpu.memref_slice %arg5[%dma_start3A_26, %dma_start3A_32] : memref<200x128xi32, #tpu.memory_space<vmem>> -> memref<1x128xi32, #tpu.memory_space<vmem>>
    %dma_start3A_34 = tpu.memref_squeeze %dma_start3A_33 : memref<1x128xi32, #tpu.memory_space<vmem>> -> memref<128xi32, #tpu.memory_space<vmem>>
    %dma_start3A_35 = arith.constant 0 : i32
    %dma_start3A_36 = arith.constant 0 : i32
    %dma_start3A_37 = tpu.memref_slice %arg2[%dma_start3A_35, %dma_start3A_36] : memref<1000000x64xf32, #tpu.memory_space<hbm>> -> memref<1000000x64xf32, #tpu.memory_space<hbm>>
    tpu.enqueue_indirect_dma source(%dma_start3A_37 : memref<1000000x64xf32, #tpu.memory_space<hbm>>) target(%dma_start3A_31 : memref<128x64xf32, #tpu.memory_space<vmem>>) offsets(%dma_start3A_34 : memref<128xi32, #tpu.memory_space<vmem>>) semaphore(%arg8 : memref<!tpu.dma_semaphore, #tpu.memory_space<semaphore_mem>>)
    %dma_start3A_38 = arith.constant 3 : i32
    %dma_start3A_39 = arith.constant 3 : i32
    %dma_start3A_40 = arith.constant 0 : i32
    %dma_start3A_41 = arith.constant 0 : i32
    %dma_start3A_42 = tpu.memref_slice %arg6[%dma_start3A_39, %dma_start3A_40, %dma_start3A_41] : memref<4x128x64xf32, #tpu.memory_space<vmem>> -> memref<1x128x64xf32, #tpu.memory_space<vmem>>
    %dma_start3A_43 = tpu.memref_squeeze %dma_start3A_42 : memref<1x128x64xf32, #tpu.memory_space<vmem>> -> memref<128x64xf32, #tpu.memory_space<vmem>>
    %dma_start3A_44 = arith.constant 0 : i32
    %dma_start3A_45 = tpu.memref_slice %arg5[%dma_start3A_38, %dma_start3A_44] : memref<200x128xi32, #tpu.memory_space<vmem>> -> memref<1x128xi32, #tpu.memory_space<vmem>>
    %dma_start3A_46 = tpu.memref_squeeze %dma_start3A_45 : memref<1x128xi32, #tpu.memory_space<vmem>> -> memref<128xi32, #tpu.memory_space<vmem>>
    %dma_start3A_47 = arith.constant 0 : i32
    %dma_start3A_48 = arith.constant 0 : i32
    %dma_start3A_49 = tpu.memref_slice %arg2[%dma_start3A_47, %dma_start3A_48] : memref<1000000x64xf32, #tpu.memory_space<hbm>> -> memref<1000000x64xf32, #tpu.memory_space<hbm>>
    tpu.enqueue_indirect_dma source(%dma_start3A_49 : memref<1000000x64xf32, #tpu.memory_space<hbm>>) target(%dma_start3A_43 : memref<128x64xf32, #tpu.memory_space<vmem>>) offsets(%dma_start3A_46 : memref<128xi32, #tpu.memory_space<vmem>>) semaphore(%arg8 : memref<!tpu.dma_semaphore, #tpu.memory_space<semaphore_mem>>)
    %scan3A = arith.constant 0 : i32
    %scan3A_50 = arith.constant 50 : i32
    %scan3A_51 = arith.addi %scan3A, %scan3A_50 : i32
    %scan3A_52 = arith.constant 1 : i32
    scf.for %scan3A_113 = %scan3A to %scan3A_51 step %scan3A_52  : i32 {
      %mul3A_114 = arith.constant 4 : i32
      %mul3A_115 = arith.muli %scan3A_113, %mul3A_114 : i32
      %add3A_116 = arith.constant 0 : i32
      %add3A_117 = arith.addi %mul3A_115, %add3A_116 : i32
      %dma_wait3A_118 = arith.constant 0 : i32
      %dma_wait3A_119 = arith.constant 0 : i32
      %dma_wait3A_120 = arith.constant 0 : i32
      %dma_wait3A_121 = tpu.memref_slice %arg6[%dma_wait3A_118, %dma_wait3A_119, %dma_wait3A_120] : memref<4x128x64xf32, #tpu.memory_space<vmem>> -> memref<1x128x64xf32, #tpu.memory_space<vmem>>
      %dma_wait3A_122 = tpu.memref_squeeze %dma_wait3A_121 : memref<1x128x64xf32, #tpu.memory_space<vmem>> -> memref<128x64xf32, #tpu.memory_space<vmem>>
      %dma_wait3A_123 = arith.constant 0 : i32
      %dma_wait3A_124 = tpu.memref_slice %arg5[%add3A_117, %dma_wait3A_123] : memref<200x128xi32, #tpu.memory_space<vmem>> -> memref<1x128xi32, #tpu.memory_space<vmem>>
      %dma_wait3A_125 = tpu.memref_squeeze %dma_wait3A_124 : memref<1x128xi32, #tpu.memory_space<vmem>> -> memref<128xi32, #tpu.memory_space<vmem>>
      %dma_wait3A_126 = arith.constant 0 : i32
      %dma_wait3A_127 = arith.constant 0 : i32
      %dma_wait3A_128 = tpu.memref_slice %arg2[%dma_wait3A_126, %dma_wait3A_127] : memref<1000000x64xf32, #tpu.memory_space<hbm>> -> memref<1000000x64xf32, #tpu.memory_space<hbm>>
      tpu.wait_indirect_dma semaphore(%arg8 : memref<!tpu.dma_semaphore, #tpu.memory_space<semaphore_mem>>) src(%dma_wait3A_128 : memref<1000000x64xf32, #tpu.memory_space<hbm>>) dst(%dma_wait3A_122 : memref<128x64xf32, #tpu.memory_space<vmem>>)
      %ge3A = arith.constant 1 : i32
      %ge3A_129 = arith.cmpi sge, %scan3A_113, %ge3A : i32
      %convert_element_type3A = arith.extui %ge3A_129 : i1 to i32
      %cond3A = arith.constant 0 : i32
      %cond3A_130 = arith.cmpi ne, %convert_element_type3A, %cond3A : i32
      scf.if %cond3A_130 {
        %dma_wait3A_294 = arith.constant 0 : i32
        %dma_wait3A_295 = arith.constant 0 : i32
        %dma_wait3A_296 = arith.constant 0 : i32
        %dma_wait3A_297 = tpu.memref_slice %arg7[%dma_wait3A_294, %dma_wait3A_295, %dma_wait3A_296] : memref<4x64x128xf32, #tpu.memory_space<vmem>> -> memref<1x64x128xf32, #tpu.memory_space<vmem>>
        %dma_wait3A_298 = tpu.memref_squeeze %dma_wait3A_297 : memref<1x64x128xf32, #tpu.memory_space<vmem>> -> memref<64x128xf32, #tpu.memory_space<vmem>>
        %dma_wait3A_299 = arith.constant 0 : i32
        %dma_wait3A_300 = arith.constant 0 : i32
        %dma_wait3A_301 = tpu.memref_slice %arg4[%dma_wait3A_299, %dma_wait3A_300] : memref<409600x128xf32, #tpu.memory_space<hbm>> -> memref<64x128xf32, #tpu.memory_space<hbm>>
        %dma_wait3A_302 = arith.constant 0 : i32
        %dma_wait3A_303 = arith.constant 0 : i32
        %dma_wait3A_304 = tpu.memref_slice %arg4[%dma_wait3A_302, %dma_wait3A_303] : memref<409600x128xf32, #tpu.memory_space<hbm>> -> memref<64x128xf32, #tpu.memory_space<hbm>>
        %dma_wait3A_305 = arith.constant 0 : i32
        %dma_wait3A_306 = arith.constant 0 : i32
        %dma_wait3A_307 = tpu.memref_slice %arg7[%dma_wait3A_294, %dma_wait3A_305, %dma_wait3A_306] : memref<4x64x128xf32, #tpu.memory_space<vmem>> -> memref<1x64x128xf32, #tpu.memory_space<vmem>>
        %dma_wait3A_308 = tpu.memref_squeeze %dma_wait3A_307 : memref<1x64x128xf32, #tpu.memory_space<vmem>> -> memref<64x128xf32, #tpu.memory_space<vmem>>
        tpu.wait_dma2 semaphore(%arg9 : memref<!tpu.dma_semaphore, #tpu.memory_space<semaphore_mem>>) src(%dma_wait3A_308 : memref<64x128xf32, #tpu.memory_space<vmem>>) dst(%dma_wait3A_304 : memref<64x128xf32, #tpu.memory_space<hbm>>)
      } else {
      }
      %scan3A_131 = arith.constant 0 : i32
      %scan3A_132 = arith.constant 64 : i32
      %scan3A_133 = arith.addi %scan3A_131, %scan3A_132 : i32
      %scan3A_134 = arith.constant 1 : i32
      scf.for %scan3A_294 = %scan3A_131 to %scan3A_133 step %scan3A_134  : i32 {
        %mul3A_295 = arith.constant 2 : i32
        %mul3A_296 = arith.muli %mul3A_295, %scan3A_294 : i32
        %add3A_297 = arith.constant 0 : i32
        %add3A_298 = arith.addi %mul3A_296, %add3A_297 : i32
        %get3A = arith.constant 0 : i32
        %get3A_299 = arith.index_cast %get3A : i32 to index
        %get3A_300 = arith.index_cast %add3A_298 : i32 to index
        %get3A_301 = arith.constant 0 : index
        %get3A_302 = tpu.vector_load %arg6[%get3A_299, %get3A_300, %get3A_301] {strides = array<i32>} : memref<4x128x64xf32, #tpu.memory_space<vmem>>, vector<1x1x16xf32>,
        %get3A_303 = vector.shape_cast %get3A_302 : vector<1x1x16xf32> to vector<16xf32>
        %mul3A_304 = arith.constant 8.000000e+00 : f32
        %mul3A_305 = vector.broadcast %mul3A_304 : f32 to vector<16xf32>
        %mul3A_306 = arith.mulf %get3A_303, %mul3A_305 : vector<16xf32>
        %swap3A = arith.constant 0 : i32
        %swap3A_307 = arith.index_cast %swap3A : i32 to index
        %swap3A_308 = arith.index_cast %scan3A_294 : i32 to index
        %swap3A_309 = arith.constant 0 : index
        %swap3A_310 = tpu.vector_load %arg7[%swap3A_307, %swap3A_308, %swap3A_309] {strides = array<i32>} : memref<4x64x128xf32, #tpu.memory_space<vmem>>, vector<1x1x16xf32>,
        %swap3A_311 = vector.shape_cast %swap3A_310 : vector<1x1x16xf32> to vector<16xf32>
        %swap3A_312 = vector.shape_cast %mul3A_306 : vector<16xf32> to vector<1x1x16xf32>
        tpu.vector_store %arg7[%swap3A_307, %swap3A_308, %swap3A_309], %swap3A_312 {strides = array<i32>} : memref<4x64x128xf32, #tpu.memory_space<vmem>>, vector<1x1x16xf32>,
        %mul3A_313 = arith.constant 2 : i32
        %mul3A_314 = arith.muli %mul3A_313, %scan3A_294 : i32
        %add3A_315 = arith.constant 0 : i32
        %add3A_316 = arith.addi %mul3A_314, %add3A_315 : i32
        %get3A_317 = arith.constant 0 : i32
        %get3A_318 = arith.index_cast %get3A_317 : i32 to index
        %get3A_319 = arith.index_cast %add3A_316 : i32 to index
        %get3A_320 = arith.constant 16 : index
        %get3A_321 = tpu.vector_load %arg6[%get3A_318, %get3A_319, %get3A_320] {strides = array<i32>} : memref<4x128x64xf32, #tpu.memory_space<vmem>>, vector<1x1x16xf32>,
        %get3A_322 = vector.shape_cast %get3A_321 : vector<1x1x16xf32> to vector<16xf32>
        %mul3A_323 = arith.constant 8.000000e+00 : f32
        %mul3A_324 = vector.broadcast %mul3A_323 : f32 to vector<16xf32>
        %mul3A_325 = arith.mulf %get3A_322, %mul3A_324 : vector<16xf32>
        %swap3A_326 = arith.constant 0 : i32
        %swap3A_327 = arith.index_cast %swap3A_326 : i32 to index
        %swap3A_328 = arith.index_cast %scan3A_294 : i32 to index
        %swap3A_329 = arith.constant 16 : index
        %swap3A_330 = tpu.vector_load %arg7[%swap3A_327, %swap3A_328, %swap3A_329] {strides = array<i32>} : memref<4x64x128xf32, #tpu.memory_space<vmem>>, vector<1x1x16xf32>,
        %swap3A_331 = vector.shape_cast %swap3A_330 : vector<1x1x16xf32> to vector<16xf32>
        %swap3A_332 = vector.shape_cast %mul3A_325 : vector<16xf32> to vector<1x1x16xf32>
        tpu.vector_store %arg7[%swap3A_327, %swap3A_328, %swap3A_329], %swap3A_332 {strides = array<i32>} : memref<4x64x128xf32, #tpu.memory_space<vmem>>, vector<1x1x16xf32>,
        %mul3A_333 = arith.constant 2 : i32
        %mul3A_334 = arith.muli %mul3A_333, %scan3A_294 : i32
        %add3A_335 = arith.constant 0 : i32
        %add3A_336 = arith.addi %mul3A_334, %add3A_335 : i32
        %get3A_337 = arith.constant 0 : i32
        %get3A_338 = arith.index_cast %get3A_337 : i32 to index
        %get3A_339 = arith.index_cast %add3A_336 : i32 to index
        %get3A_340 = arith.constant 32 : index
        %get3A_341 = tpu.vector_load %arg6[%get3A_338, %get3A_339, %get3A_340] {strides = array<i32>} : memref<4x128x64xf32, #tpu.memory_space<vmem>>, vector<1x1x16xf32>,
        %get3A_342 = vector.shape_cast %get3A_341 : vector<1x1x16xf32> to vector<16xf32>
        %mul3A_343 = arith.constant 8.000000e+00 : f32
        %mul3A_344 = vector.broadcast %mul3A_343 : f32 to vector<16xf32>
        %mul3A_345 = arith.mulf %get3A_342, %mul3A_344 : vector<16xf32>
        %swap3A_346 = arith.constant 0 : i32
        %swap3A_347 = arith.index_cast %swap3A_346 : i32 to index
        %swap3A_348 = arith.index_cast %scan3A_294 : i32 to index
        %swap3A_349 = arith.constant 32 : index
        %swap3A_350 = tpu.vector_load %arg7[%swap3A_347, %swap3A_348, %swap3A_349] {strides = array<i32>} : memref<4x64x128xf32, #tpu.memory_space<vmem>>, vector<1x1x16xf32>,
        %swap3A_351 = vector.shape_cast %swap3A_350 : vector<1x1x16xf32> to vector<16xf32>
        %swap3A_352 = vector.shape_cast %mul3A_345 : vector<16xf32> to vector<1x1x16xf32>
        tpu.vector_store %arg7[%swap3A_347, %swap3A_348, %swap3A_349], %swap3A_352 {strides = array<i32>} : memref<4x64x128xf32, #tpu.memory_space<vmem>>, vector<1x1x16xf32>,
        %mul3A_353 = arith.constant 2 : i32
        %mul3A_354 = arith.muli %mul3A_353, %scan3A_294 : i32
        %add3A_355 = arith.constant 0 : i32
        %add3A_356 = arith.addi %mul3A_354, %add3A_355 : i32
        %get3A_357 = arith.constant 0 : i32
        %get3A_358 = arith.index_cast %get3A_357 : i32 to index
        %get3A_359 = arith.index_cast %add3A_356 : i32 to index
        %get3A_360 = arith.constant 48 : index
        %get3A_361 = tpu.vector_load %arg6[%get3A_358, %get3A_359, %get3A_360] {strides = array<i32>} : memref<4x128x64xf32, #tpu.memory_space<vmem>>, vector<1x1x16xf32>,
        %get3A_362 = vector.shape_cast %get3A_361 : vector<1x1x16xf32> to vector<16xf32>
        %mul3A_363 = arith.constant 8.000000e+00 : f32
        %mul3A_364 = vector.broadcast %mul3A_363 : f32 to vector<16xf32>
        %mul3A_365 = arith.mulf %get3A_362, %mul3A_364 : vector<16xf32>
        %swap3A_366 = arith.constant 0 : i32
        %swap3A_367 = arith.index_cast %swap3A_366 : i32 to index
        %swap3A_368 = arith.index_cast %scan3A_294 : i32 to index
        %swap3A_369 = arith.constant 48 : index
        %swap3A_370 = tpu.vector_load %arg7[%swap3A_367, %swap3A_368, %swap3A_369] {strides = array<i32>} : memref<4x64x128xf32, #tpu.memory_space<vmem>>, vector<1x1x16xf32>,
        %swap3A_371 = vector.shape_cast %swap3A_370 : vector<1x1x16xf32> to vector<16xf32>
        %swap3A_372 = vector.shape_cast %mul3A_365 : vector<16xf32> to vector<1x1x16xf32>
        tpu.vector_store %arg7[%swap3A_367, %swap3A_368, %swap3A_369], %swap3A_372 {strides = array<i32>} : memref<4x64x128xf32, #tpu.memory_space<vmem>>, vector<1x1x16xf32>,
        %mul3A_373 = arith.constant 2 : i32
        %mul3A_374 = arith.muli %mul3A_373, %scan3A_294 : i32
        %add3A_375 = arith.constant 1 : i32
        %add3A_376 = arith.addi %mul3A_374, %add3A_375 : i32
        %get3A_377 = arith.constant 0 : i32
        %get3A_378 = arith.index_cast %get3A_377 : i32 to index
        %get3A_379 = arith.index_cast %add3A_376 : i32 to index
        %get3A_380 = arith.constant 0 : index
        %get3A_381 = tpu.vector_load %arg6[%get3A_378, %get3A_379, %get3A_380] {strides = array<i32>} : memref<4x128x64xf32, #tpu.memory_space<vmem>>, vector<1x1x16xf32>,
        %get3A_382 = vector.shape_cast %get3A_381 : vector<1x1x16xf32> to vector<16xf32>
        %mul3A_383 = arith.constant 8.000000e+00 : f32
        %mul3A_384 = vector.broadcast %mul3A_383 : f32 to vector<16xf32>
        %mul3A_385 = arith.mulf %get3A_382, %mul3A_384 : vector<16xf32>
        %swap3A_386 = arith.constant 0 : i32
        %swap3A_387 = arith.index_cast %swap3A_386 : i32 to index
        %swap3A_388 = arith.index_cast %scan3A_294 : i32 to index
        %swap3A_389 = arith.constant 64 : index
        %swap3A_390 = tpu.vector_load %arg7[%swap3A_387, %swap3A_388, %swap3A_389] {strides = array<i32>} : memref<4x64x128xf32, #tpu.memory_space<vmem>>, vector<1x1x16xf32>,
        %swap3A_391 = vector.shape_cast %swap3A_390 : vector<1x1x16xf32> to vector<16xf32>
        %swap3A_392 = vector.shape_cast %mul3A_385 : vector<16xf32> to vector<1x1x16xf32>
        tpu.vector_store %arg7[%swap3A_387, %swap3A_388, %swap3A_389], %swap3A_392 {strides = array<i32>} : memref<4x64x128xf32, #tpu.memory_space<vmem>>, vector<1x1x16xf32>,
        %mul3A_393 = arith.constant 2 : i32
        %mul3A_394 = arith.muli %mul3A_393, %scan3A_294 : i32
        %add3A_395 = arith.constant 1 : i32
        %add3A_396 = arith.addi %mul3A_394, %add3A_395 : i32
        %get3A_397 = arith.constant 0 : i32
        %get3A_398 = arith.index_cast %get3A_397 : i32 to index
        %get3A_399 = arith.index_cast %add3A_396 : i32 to index
        %get3A_400 = arith.constant 16 : index
        %get3A_401 = tpu.vector_load %arg6[%get3A_398, %get3A_399, %get3A_400] {strides = array<i32>} : memref<4x128x64xf32, #tpu.memory_space<vmem>>, vector<1x1x16xf32>,
        %get3A_402 = vector.shape_cast %get3A_401 : vector<1x1x16xf32> to vector<16xf32>
        %mul3A_403 = arith.constant 8.000000e+00 : f32
        %mul3A_404 = vector.broadcast %mul3A_403 : f32 to vector<16xf32>
        %mul3A_405 = arith.mulf %get3A_402, %mul3A_404 : vector<16xf32>
        %swap3A_406 = arith.constant 0 : i32
        %swap3A_407 = arith.index_cast %swap3A_406 : i32 to index
        %swap3A_408 = arith.index_cast %scan3A_294 : i32 to index
        %swap3A_409 = arith.constant 80 : index
        %swap3A_410 = tpu.vector_load %arg7[%swap3A_407, %swap3A_408, %swap3A_409] {strides = array<i32>} : memref<4x64x128xf32, #tpu.memory_space<vmem>>, vector<1x1x16xf32>,
        %swap3A_411 = vector.shape_cast %swap3A_410 : vector<1x1x16xf32> to vector<16xf32>
        %swap3A_412 = vector.shape_cast %mul3A_405 : vector<16xf32> to vector<1x1x16xf32>
        tpu.vector_store %arg7[%swap3A_407, %swap3A_408, %swap3A_409], %swap3A_412 {strides = array<i32>} : memref<4x64x128xf32, #tpu.memory_space<vmem>>, vector<1x1x16xf32>,
        %mul3A_413 = arith.constant 2 : i32
        %mul3A_414 = arith.muli %mul3A_413, %scan3A_294 : i32
        %add3A_415 = arith.constant 1 : i32
        %add3A_416 = arith.addi %mul3A_414, %add3A_415 : i32
        %get3A_417 = arith.constant 0 : i32
        %get3A_418 = arith.index_cast %get3A_417 : i32 to index
        %get3A_419 = arith.index_cast %add3A_416 : i32 to index
        %get3A_420 = arith.constant 32 : index
        %get3A_421 = tpu.vector_load %arg6[%get3A_418, %get3A_419, %get3A_420] {strides = array<i32>} : memref<4x128x64xf32, #tpu.memory_space<vmem>>, vector<1x1x16xf32>,
        %get3A_422 = vector.shape_cast %get3A_421 : vector<1x1x16xf32> to vector<16xf32>
        %mul3A_423 = arith.constant 8.000000e+00 : f32
        %mul3A_424 = vector.broadcast %mul3A_423 : f32 to vector<16xf32>
        %mul3A_425 = arith.mulf %get3A_422, %mul3A_424 : vector<16xf32>
        %swap3A_426 = arith.constant 0 : i32
        %swap3A_427 = arith.index_cast %swap3A_426 : i32 to index
        %swap3A_428 = arith.index_cast %scan3A_294 : i32 to index
        %swap3A_429 = arith.constant 96 : index
        %swap3A_430 = tpu.vector_load %arg7[%swap3A_427, %swap3A_428, %swap3A_429] {strides = array<i32>} : memref<4x64x128xf32, #tpu.memory_space<vmem>>, vector<1x1x16xf32>,
        %swap3A_431 = vector.shape_cast %swap3A_430 : vector<1x1x16xf32> to vector<16xf32>
        %swap3A_432 = vector.shape_cast %mul3A_425 : vector<16xf32> to vector<1x1x16xf32>
        tpu.vector_store %arg7[%swap3A_427, %swap3A_428, %swap3A_429], %swap3A_432 {strides = array<i32>} : memref<4x64x128xf32, #tpu.memory_space<vmem>>, vector<1x1x16xf32>,
        %mul3A_433 = arith.constant 2 : i32
        %mul3A_434 = arith.muli %mul3A_433, %scan3A_294 : i32
        %add3A_435 = arith.constant 1 : i32
        %add3A_436 = arith.addi %mul3A_434, %add3A_435 : i32
        %get3A_437 = arith.constant 0 : i32
        %get3A_438 = arith.index_cast %get3A_437 : i32 to index
        %get3A_439 = arith.index_cast %add3A_436 : i32 to index
        %get3A_440 = arith.constant 48 : index
        %get3A_441 = tpu.vector_load %arg6[%get3A_438, %get3A_439, %get3A_440] {strides = array<i32>} : memref<4x128x64xf32, #tpu.memory_space<vmem>>, vector<1x1x16xf32>,
        %get3A_442 = vector.shape_cast %get3A_441 : vector<1x1x16xf32> to vector<16xf32>
        %mul3A_443 = arith.constant 8.000000e+00 : f32
        %mul3A_444 = vector.broadcast %mul3A_443 : f32 to vector<16xf32>
        %mul3A_445 = arith.mulf %get3A_442, %mul3A_444 : vector<16xf32>
        %swap3A_446 = arith.constant 0 : i32
        %swap3A_447 = arith.index_cast %swap3A_446 : i32 to index
        %swap3A_448 = arith.index_cast %scan3A_294 : i32 to index
        %swap3A_449 = arith.constant 112 : index
        %swap3A_450 = tpu.vector_load %arg7[%swap3A_447, %swap3A_448, %swap3A_449] {strides = array<i32>} : memref<4x64x128xf32, #tpu.memory_space<vmem>>, vector<1x1x16xf32>,
        %swap3A_451 = vector.shape_cast %swap3A_450 : vector<1x1x16xf32> to vector<16xf32>
        %swap3A_452 = vector.shape_cast %mul3A_445 : vector<16xf32> to vector<1x1x16xf32>
        tpu.vector_store %arg7[%swap3A_447, %swap3A_448, %swap3A_449], %swap3A_452 {strides = array<i32>} : memref<4x64x128xf32, #tpu.memory_space<vmem>>, vector<1x1x16xf32>,
      }
      %scan3A_135 = arith.constant 64 : i32
      %lt3A = arith.constant 49 : i32
      %lt3A_136 = arith.cmpi slt, %scan3A_113, %lt3A : i32
      %convert_element_type3A_137 = arith.extui %lt3A_136 : i1 to i32
      %cond3A_138 = arith.constant 0 : i32
      %cond3A_139 = arith.cmpi ne, %convert_element_type3A_137, %cond3A_138 : i32
      scf.if %cond3A_139 {
        %add3A_294 = arith.constant 4 : i32
        %add3A_295 = arith.addi %add3A_117, %add3A_294 : i32
        %dma_start3A_296 = arith.constant 0 : i32
        %dma_start3A_297 = arith.constant 0 : i32
        %dma_start3A_298 = arith.constant 0 : i32
        %dma_start3A_299 = tpu.memref_slice %arg6[%dma_start3A_296, %dma_start3A_297, %dma_start3A_298] : memref<4x128x64xf32, #tpu.memory_space<vmem>> -> memref<1x128x64xf32, #tpu.memory_space<vmem>>
        %dma_start3A_300 = tpu.memref_squeeze %dma_start3A_299 : memref<1x128x64xf32, #tpu.memory_space<vmem>> -> memref<128x64xf32, #tpu.memory_space<vmem>>
        %dma_start3A_301 = arith.constant 0 : i32
        %dma_start3A_302 = tpu.memref_slice %arg5[%add3A_295, %dma_start3A_301] : memref<200x128xi32, #tpu.memory_space<vmem>> -> memref<1x128xi32, #tpu.memory_space<vmem>>
        %dma_start3A_303 = tpu.memref_squeeze %dma_start3A_302 : memref<1x128xi32, #tpu.memory_space<vmem>> -> memref<128xi32, #tpu.memory_space<vmem>>
        %dma_start3A_304 = arith.constant 0 : i32
        %dma_start3A_305 = arith.constant 0 : i32
        %dma_start3A_306 = tpu.memref_slice %arg2[%dma_start3A_304, %dma_start3A_305] : memref<1000000x64xf32, #tpu.memory_space<hbm>> -> memref<1000000x64xf32, #tpu.memory_space<hbm>>
        tpu.enqueue_indirect_dma source(%dma_start3A_306 : memref<1000000x64xf32, #tpu.memory_space<hbm>>) target(%dma_start3A_300 : memref<128x64xf32, #tpu.memory_space<vmem>>) offsets(%dma_start3A_303 : memref<128xi32, #tpu.memory_space<vmem>>) semaphore(%arg8 : memref<!tpu.dma_semaphore, #tpu.memory_space<semaphore_mem>>)
      } else {
      }
      %add3A_140 = arith.addi %mul3A_2, %add3A_117 : i32
      %mul3A_141 = arith.constant 64 : i32
      %mul3A_142 = arith.muli %add3A_140, %mul3A_141 : i32
      %dma_start3A_143 = arith.constant 0 : i32
      %dma_start3A_144 = arith.constant 0 : i32
      %dma_start3A_145 = arith.constant 0 : i32
      %dma_start3A_146 = tpu.memref_slice %arg7[%dma_start3A_143, %dma_start3A_144, %dma_start3A_145] : memref<4x64x128xf32, #tpu.memory_space<vmem>> -> memref<1x64x128xf32, #tpu.memory_space<vmem>>
      %dma_start3A_147 = tpu.memref_squeeze %dma_start3A_146 : memref<1x64x128xf32, #tpu.memory_space<vmem>> -> memref<64x128xf32, #tpu.memory_space<vmem>>
      %dma_start3A_148 = arith.constant 0 : i32
      %dma_start3A_149 = tpu.memref_slice %arg4[%mul3A_142, %dma_start3A_148] : memref<409600x128xf32, #tpu.memory_space<hbm>> -> memref<64x128xf32, #tpu.memory_space<hbm>>
      %dma_start3A_150 = arith.constant 0 : i32
      %dma_start3A_151 = tpu.memref_slice %arg4[%mul3A_142, %dma_start3A_150] : memref<409600x128xf32, #tpu.memory_space<hbm>> -> memref<64x128xf32, #tpu.memory_space<hbm>>
      %dma_start3A_152 = arith.constant 0 : i32
      %dma_start3A_153 = arith.constant 0 : i32
      %dma_start3A_154 = tpu.memref_slice %arg7[%dma_start3A_143, %dma_start3A_152, %dma_start3A_153] : memref<4x64x128xf32, #tpu.memory_space<vmem>> -> memref<1x64x128xf32, #tpu.memory_space<vmem>>
      %dma_start3A_155 = tpu.memref_squeeze %dma_start3A_154 : memref<1x64x128xf32, #tpu.memory_space<vmem>> -> memref<64x128xf32, #tpu.memory_space<vmem>>
      tpu.enqueue_dma source(%dma_start3A_155 : memref<64x128xf32, #tpu.memory_space<vmem>>) target(%dma_start3A_151 : memref<64x128xf32, #tpu.memory_space<hbm>>) target_semaphore(%arg9 : memref<!tpu.dma_semaphore, #tpu.memory_space<semaphore_mem>>)
      %mul3A_156 = arith.constant 4 : i32
      %mul3A_157 = arith.muli %scan3A_113, %mul3A_156 : i32
      %add3A_158 = arith.constant 1 : i32
      %add3A_159 = arith.addi %mul3A_157, %add3A_158 : i32
      %dma_wait3A_160 = arith.constant 1 : i32
      %dma_wait3A_161 = arith.constant 0 : i32
      %dma_wait3A_162 = arith.constant 0 : i32
      %dma_wait3A_163 = tpu.memref_slice %arg6[%dma_wait3A_160, %dma_wait3A_161, %dma_wait3A_162] : memref<4x128x64xf32, #tpu.memory_space<vmem>> -> memref<1x128x64xf32, #tpu.memory_space<vmem>>
      %dma_wait3A_164 = tpu.memref_squeeze %dma_wait3A_163 : memref<1x128x64xf32, #tpu.memory_space<vmem>> -> memref<128x64xf32, #tpu.memory_space<vmem>>
      %dma_wait3A_165 = arith.constant 0 : i32
      %dma_wait3A_166 = tpu.memref_slice %arg5[%add3A_159, %dma_wait3A_165] : memref<200x128xi32, #tpu.memory_space<vmem>> -> memref<1x128xi32, #tpu.memory_space<vmem>>
      %dma_wait3A_167 = tpu.memref_squeeze %dma_wait3A_166 : memref<1x128xi32, #tpu.memory_space<vmem>> -> memref<128xi32, #tpu.memory_space<vmem>>
      %dma_wait3A_168 = arith.constant 0 : i32
      %dma_wait3A_169 = arith.constant 0 : i32
      %dma_wait3A_170 = tpu.memref_slice %arg2[%dma_wait3A_168, %dma_wait3A_169] : memref<1000000x64xf32, #tpu.memory_space<hbm>> -> memref<1000000x64xf32, #tpu.memory_space<hbm>>
      tpu.wait_indirect_dma semaphore(%arg8 : memref<!tpu.dma_semaphore, #tpu.memory_space<semaphore_mem>>) src(%dma_wait3A_170 : memref<1000000x64xf32, #tpu.memory_space<hbm>>) dst(%dma_wait3A_164 : memref<128x64xf32, #tpu.memory_space<vmem>>)
      %ge3A_171 = arith.constant 1 : i32
      %ge3A_172 = arith.cmpi sge, %scan3A_113, %ge3A_171 : i32
      %convert_element_type3A_173 = arith.extui %ge3A_172 : i1 to i32
      %cond3A_174 = arith.constant 0 : i32
      %cond3A_175 = arith.cmpi ne, %convert_element_type3A_173, %cond3A_174 : i32
      scf.if %cond3A_175 {
        %dma_wait3A_294 = arith.constant 1 : i32
        %dma_wait3A_295 = arith.constant 0 : i32
        %dma_wait3A_296 = arith.constant 0 : i32
        %dma_wait3A_297 = tpu.memref_slice %arg7[%dma_wait3A_294, %dma_wait3A_295, %dma_wait3A_296] : memref<4x64x128xf32, #tpu.memory_space<vmem>> -> memref<1x64x128xf32, #tpu.memory_space<vmem>>
        %dma_wait3A_298 = tpu.memref_squeeze %dma_wait3A_297 : memref<1x64x128xf32, #tpu.memory_space<vmem>> -> memref<64x128xf32, #tpu.memory_space<vmem>>
        %dma_wait3A_299 = arith.constant 0 : i32
        %dma_wait3A_300 = arith.constant 0 : i32
        %dma_wait3A_301 = tpu.memref_slice %arg4[%dma_wait3A_299, %dma_wait3A_300] : memref<409600x128xf32, #tpu.memory_space<hbm>> -> memref<64x128xf32, #tpu.memory_space<hbm>>
        %dma_wait3A_302 = arith.constant 0 : i32
        %dma_wait3A_303 = arith.constant 0 : i32
        %dma_wait3A_304 = tpu.memref_slice %arg4[%dma_wait3A_302, %dma_wait3A_303] : memref<409600x128xf32, #tpu.memory_space<hbm>> -> memref<64x128xf32, #tpu.memory_space<hbm>>
        %dma_wait3A_305 = arith.constant 0 : i32
        %dma_wait3A_306 = arith.constant 0 : i32
        %dma_wait3A_307 = tpu.memref_slice %arg7[%dma_wait3A_294, %dma_wait3A_305, %dma_wait3A_306] : memref<4x64x128xf32, #tpu.memory_space<vmem>> -> memref<1x64x128xf32, #tpu.memory_space<vmem>>
        %dma_wait3A_308 = tpu.memref_squeeze %dma_wait3A_307 : memref<1x64x128xf32, #tpu.memory_space<vmem>> -> memref<64x128xf32, #tpu.memory_space<vmem>>
        tpu.wait_dma2 semaphore(%arg9 : memref<!tpu.dma_semaphore, #tpu.memory_space<semaphore_mem>>) src(%dma_wait3A_308 : memref<64x128xf32, #tpu.memory_space<vmem>>) dst(%dma_wait3A_304 : memref<64x128xf32, #tpu.memory_space<hbm>>)
      } else {
      }
      %scan3A_176 = arith.constant 0 : i32
      %scan3A_177 = arith.constant 64 : i32
      %scan3A_178 = arith.addi %scan3A_176, %scan3A_177 : i32
      %scan3A_179 = arith.constant 1 : i32
      scf.for %scan3A_294 = %scan3A_176 to %scan3A_178 step %scan3A_179  : i32 {
        %mul3A_295 = arith.constant 2 : i32
        %mul3A_296 = arith.muli %mul3A_295, %scan3A_294 : i32
        %add3A_297 = arith.constant 0 : i32
        %add3A_298 = arith.addi %mul3A_296, %add3A_297 : i32
        %get3A = arith.constant 1 : i32
        %get3A_299 = arith.index_cast %get3A : i32 to index
        %get3A_300 = arith.index_cast %add3A_298 : i32 to index
        %get3A_301 = arith.constant 0 : index
        %get3A_302 = tpu.vector_load %arg6[%get3A_299, %get3A_300, %get3A_301] {strides = array<i32>} : memref<4x128x64xf32, #tpu.memory_space<vmem>>, vector<1x1x16xf32>,
        %get3A_303 = vector.shape_cast %get3A_302 : vector<1x1x16xf32> to vector<16xf32>
        %mul3A_304 = arith.constant 8.000000e+00 : f32
        %mul3A_305 = vector.broadcast %mul3A_304 : f32 to vector<16xf32>
        %mul3A_306 = arith.mulf %get3A_303, %mul3A_305 : vector<16xf32>
        %swap3A = arith.constant 1 : i32
        %swap3A_307 = arith.index_cast %swap3A : i32 to index
        %swap3A_308 = arith.index_cast %scan3A_294 : i32 to index
        %swap3A_309 = arith.constant 0 : index
        %swap3A_310 = tpu.vector_load %arg7[%swap3A_307, %swap3A_308, %swap3A_309] {strides = array<i32>} : memref<4x64x128xf32, #tpu.memory_space<vmem>>, vector<1x1x16xf32>,
        %swap3A_311 = vector.shape_cast %swap3A_310 : vector<1x1x16xf32> to vector<16xf32>
        %swap3A_312 = vector.shape_cast %mul3A_306 : vector<16xf32> to vector<1x1x16xf32>
        tpu.vector_store %arg7[%swap3A_307, %swap3A_308, %swap3A_309], %swap3A_312 {strides = array<i32>} : memref<4x64x128xf32, #tpu.memory_space<vmem>>, vector<1x1x16xf32>,
        %mul3A_313 = arith.constant 2 : i32
        %mul3A_314 = arith.muli %mul3A_313, %scan3A_294 : i32
        %add3A_315 = arith.constant 0 : i32
        %add3A_316 = arith.addi %mul3A_314, %add3A_315 : i32
        %get3A_317 = arith.constant 1 : i32
        %get3A_318 = arith.index_cast %get3A_317 : i32 to index
        %get3A_319 = arith.index_cast %add3A_316 : i32 to index
        %get3A_320 = arith.constant 16 : index
        %get3A_321 = tpu.vector_load %arg6[%get3A_318, %get3A_319, %get3A_320] {strides = array<i32>} : memref<4x128x64xf32, #tpu.memory_space<vmem>>, vector<1x1x16xf32>,
        %get3A_322 = vector.shape_cast %get3A_321 : vector<1x1x16xf32> to vector<16xf32>
        %mul3A_323 = arith.constant 8.000000e+00 : f32
        %mul3A_324 = vector.broadcast %mul3A_323 : f32 to vector<16xf32>
        %mul3A_325 = arith.mulf %get3A_322, %mul3A_324 : vector<16xf32>
        %swap3A_326 = arith.constant 1 : i32
        %swap3A_327 = arith.index_cast %swap3A_326 : i32 to index
        %swap3A_328 = arith.index_cast %scan3A_294 : i32 to index
        %swap3A_329 = arith.constant 16 : index
        %swap3A_330 = tpu.vector_load %arg7[%swap3A_327, %swap3A_328, %swap3A_329] {strides = array<i32>} : memref<4x64x128xf32, #tpu.memory_space<vmem>>, vector<1x1x16xf32>,
        %swap3A_331 = vector.shape_cast %swap3A_330 : vector<1x1x16xf32> to vector<16xf32>
        %swap3A_332 = vector.shape_cast %mul3A_325 : vector<16xf32> to vector<1x1x16xf32>
        tpu.vector_store %arg7[%swap3A_327, %swap3A_328, %swap3A_329], %swap3A_332 {strides = array<i32>} : memref<4x64x128xf32, #tpu.memory_space<vmem>>, vector<1x1x16xf32>,
        %mul3A_333 = arith.constant 2 : i32
        %mul3A_334 = arith.muli %mul3A_333, %scan3A_294 : i32
        %add3A_335 = arith.constant 0 : i32
        %add3A_336 = arith.addi %mul3A_334, %add3A_335 : i32
        %get3A_337 = arith.constant 1 : i32
        %get3A_338 = arith.index_cast %get3A_337 : i32 to index
        %get3A_339 = arith.index_cast %add3A_336 : i32 to index
        %get3A_340 = arith.constant 32 : index
        %get3A_341 = tpu.vector_load %arg6[%get3A_338, %get3A_339, %get3A_340] {strides = array<i32>} : memref<4x128x64xf32, #tpu.memory_space<vmem>>, vector<1x1x16xf32>,
        %get3A_342 = vector.shape_cast %get3A_341 : vector<1x1x16xf32> to vector<16xf32>
        %mul3A_343 = arith.constant 8.000000e+00 : f32
        %mul3A_344 = vector.broadcast %mul3A_343 : f32 to vector<16xf32>
        %mul3A_345 = arith.mulf %get3A_342, %mul3A_344 : vector<16xf32>
        %swap3A_346 = arith.constant 1 : i32
        %swap3A_347 = arith.index_cast %swap3A_346 : i32 to index
        %swap3A_348 = arith.index_cast %scan3A_294 : i32 to index
        %swap3A_349 = arith.constant 32 : index
        %swap3A_350 = tpu.vector_load %arg7[%swap3A_347, %swap3A_348, %swap3A_349] {strides = array<i32>} : memref<4x64x128xf32, #tpu.memory_space<vmem>>, vector<1x1x16xf32>,
        %swap3A_351 = vector.shape_cast %swap3A_350 : vector<1x1x16xf32> to vector<16xf32>
        %swap3A_352 = vector.shape_cast %mul3A_345 : vector<16xf32> to vector<1x1x16xf32>
        tpu.vector_store %arg7[%swap3A_347, %swap3A_348, %swap3A_349], %swap3A_352 {strides = array<i32>} : memref<4x64x128xf32, #tpu.memory_space<vmem>>, vector<1x1x16xf32>,
        %mul3A_353 = arith.constant 2 : i32
        %mul3A_354 = arith.muli %mul3A_353, %scan3A_294 : i32
        %add3A_355 = arith.constant 0 : i32
        %add3A_356 = arith.addi %mul3A_354, %add3A_355 : i32
        %get3A_357 = arith.constant 1 : i32
        %get3A_358 = arith.index_cast %get3A_357 : i32 to index
        %get3A_359 = arith.index_cast %add3A_356 : i32 to index
        %get3A_360 = arith.constant 48 : index
        %get3A_361 = tpu.vector_load %arg6[%get3A_358, %get3A_359, %get3A_360] {strides = array<i32>} : memref<4x128x64xf32, #tpu.memory_space<vmem>>, vector<1x1x16xf32>,
        %get3A_362 = vector.shape_cast %get3A_361 : vector<1x1x16xf32> to vector<16xf32>
        %mul3A_363 = arith.constant 8.000000e+00 : f32
        %mul3A_364 = vector.broadcast %mul3A_363 : f32 to vector<16xf32>
        %mul3A_365 = arith.mulf %get3A_362, %mul3A_364 : vector<16xf32>
        %swap3A_366 = arith.constant 1 : i32
        %swap3A_367 = arith.index_cast %swap3A_366 : i32 to index
        %swap3A_368 = arith.index_cast %scan3A_294 : i32 to index
        %swap3A_369 = arith.constant 48 : index
        %swap3A_370 = tpu.vector_load %arg7[%swap3A_367, %swap3A_368, %swap3A_369] {strides = array<i32>} : memref<4x64x128xf32, #tpu.memory_space<vmem>>, vector<1x1x16xf32>,
        %swap3A_371 = vector.shape_cast %swap3A_370 : vector<1x1x16xf32> to vector<16xf32>
        %swap3A_372 = vector.shape_cast %mul3A_365 : vector<16xf32> to vector<1x1x16xf32>
        tpu.vector_store %arg7[%swap3A_367, %swap3A_368, %swap3A_369], %swap3A_372 {strides = array<i32>} : memref<4x64x128xf32, #tpu.memory_space<vmem>>, vector<1x1x16xf32>,
        %mul3A_373 = arith.constant 2 : i32
        %mul3A_374 = arith.muli %mul3A_373, %scan3A_294 : i32
        %add3A_375 = arith.constant 1 : i32
        %add3A_376 = arith.addi %mul3A_374, %add3A_375 : i32
        %get3A_377 = arith.constant 1 : i32
        %get3A_378 = arith.index_cast %get3A_377 : i32 to index
        %get3A_379 = arith.index_cast %add3A_376 : i32 to index
        %get3A_380 = arith.constant 0 : index
        %get3A_381 = tpu.vector_load %arg6[%get3A_378, %get3A_379, %get3A_380] {strides = array<i32>} : memref<4x128x64xf32, #tpu.memory_space<vmem>>, vector<1x1x16xf32>,
        %get3A_382 = vector.shape_cast %get3A_381 : vector<1x1x16xf32> to vector<16xf32>
        %mul3A_383 = arith.constant 8.000000e+00 : f32
        %mul3A_384 = vector.broadcast %mul3A_383 : f32 to vector<16xf32>
        %mul3A_385 = arith.mulf %get3A_382, %mul3A_384 : vector<16xf32>
        %swap3A_386 = arith.constant 1 : i32
        %swap3A_387 = arith.index_cast %swap3A_386 : i32 to index
        %swap3A_388 = arith.index_cast %scan3A_294 : i32 to index
        %swap3A_389 = arith.constant 64 : index
        %swap3A_390 = tpu.vector_load %arg7[%swap3A_387, %swap3A_388, %swap3A_389] {strides = array<i32>} : memref<4x64x128xf32, #tpu.memory_space<vmem>>, vector<1x1x16xf32>,
        %swap3A_391 = vector.shape_cast %swap3A_390 : vector<1x1x16xf32> to vector<16xf32>
        %swap3A_392 = vector.shape_cast %mul3A_385 : vector<16xf32> to vector<1x1x16xf32>
        tpu.vector_store %arg7[%swap3A_387, %swap3A_388, %swap3A_389], %swap3A_392 {strides = array<i32>} : memref<4x64x128xf32, #tpu.memory_space<vmem>>, vector<1x1x16xf32>,
        %mul3A_393 = arith.constant 2 : i32
        %mul3A_394 = arith.muli %mul3A_393, %scan3A_294 : i32
        %add3A_395 = arith.constant 1 : i32
        %add3A_396 = arith.addi %mul3A_394, %add3A_395 : i32
        %get3A_397 = arith.constant 1 : i32
        %get3A_398 = arith.index_cast %get3A_397 : i32 to index
        %get3A_399 = arith.index_cast %add3A_396 : i32 to index
        %get3A_400 = arith.constant 16 : index
        %get3A_401 = tpu.vector_load %arg6[%get3A_398, %get3A_399, %get3A_400] {strides = array<i32>} : memref<4x128x64xf32, #tpu.memory_space<vmem>>, vector<1x1x16xf32>,
        %get3A_402 = vector.shape_cast %get3A_401 : vector<1x1x16xf32> to vector<16xf32>
        %mul3A_403 = arith.constant 8.000000e+00 : f32
        %mul3A_404 = vector.broadcast %mul3A_403 : f32 to vector<16xf32>
        %mul3A_405 = arith.mulf %get3A_402, %mul3A_404 : vector<16xf32>
        %swap3A_406 = arith.constant 1 : i32
        %swap3A_407 = arith.index_cast %swap3A_406 : i32 to index
        %swap3A_408 = arith.index_cast %scan3A_294 : i32 to index
        %swap3A_409 = arith.constant 80 : index
        %swap3A_410 = tpu.vector_load %arg7[%swap3A_407, %swap3A_408, %swap3A_409] {strides = array<i32>} : memref<4x64x128xf32, #tpu.memory_space<vmem>>, vector<1x1x16xf32>,
        %swap3A_411 = vector.shape_cast %swap3A_410 : vector<1x1x16xf32> to vector<16xf32>
        %swap3A_412 = vector.shape_cast %mul3A_405 : vector<16xf32> to vector<1x1x16xf32>
        tpu.vector_store %arg7[%swap3A_407, %swap3A_408, %swap3A_409], %swap3A_412 {strides = array<i32>} : memref<4x64x128xf32, #tpu.memory_space<vmem>>, vector<1x1x16xf32>,
        %mul3A_413 = arith.constant 2 : i32
        %mul3A_414 = arith.muli %mul3A_413, %scan3A_294 : i32
        %add3A_415 = arith.constant 1 : i32
        %add3A_416 = arith.addi %mul3A_414, %add3A_415 : i32
        %get3A_417 = arith.constant 1 : i32
        %get3A_418 = arith.index_cast %get3A_417 : i32 to index
        %get3A_419 = arith.index_cast %add3A_416 : i32 to index
        %get3A_420 = arith.constant 32 : index
        %get3A_421 = tpu.vector_load %arg6[%get3A_418, %get3A_419, %get3A_420] {strides = array<i32>} : memref<4x128x64xf32, #tpu.memory_space<vmem>>, vector<1x1x16xf32>,
        %get3A_422 = vector.shape_cast %get3A_421 : vector<1x1x16xf32> to vector<16xf32>
        %mul3A_423 = arith.constant 8.000000e+00 : f32
        %mul3A_424 = vector.broadcast %mul3A_423 : f32 to vector<16xf32>
        %mul3A_425 = arith.mulf %get3A_422, %mul3A_424 : vector<16xf32>
        %swap3A_426 = arith.constant 1 : i32
        %swap3A_427 = arith.index_cast %swap3A_426 : i32 to index
        %swap3A_428 = arith.index_cast %scan3A_294 : i32 to index
        %swap3A_429 = arith.constant 96 : index
        %swap3A_430 = tpu.vector_load %arg7[%swap3A_427, %swap3A_428, %swap3A_429] {strides = array<i32>} : memref<4x64x128xf32, #tpu.memory_space<vmem>>, vector<1x1x16xf32>,
        %swap3A_431 = vector.shape_cast %swap3A_430 : vector<1x1x16xf32> to vector<16xf32>
        %swap3A_432 = vector.shape_cast %mul3A_425 : vector<16xf32> to vector<1x1x16xf32>
        tpu.vector_store %arg7[%swap3A_427, %swap3A_428, %swap3A_429], %swap3A_432 {strides = array<i32>} : memref<4x64x128xf32, #tpu.memory_space<vmem>>, vector<1x1x16xf32>,
        %mul3A_433 = arith.constant 2 : i32
        %mul3A_434 = arith.muli %mul3A_433, %scan3A_294 : i32
        %add3A_435 = arith.constant 1 : i32
        %add3A_436 = arith.addi %mul3A_434, %add3A_435 : i32
        %get3A_437 = arith.constant 1 : i32
        %get3A_438 = arith.index_cast %get3A_437 : i32 to index
        %get3A_439 = arith.index_cast %add3A_436 : i32 to index
        %get3A_440 = arith.constant 48 : index
        %get3A_441 = tpu.vector_load %arg6[%get3A_438, %get3A_439, %get3A_440] {strides = array<i32>} : memref<4x128x64xf32, #tpu.memory_space<vmem>>, vector<1x1x16xf32>,
        %get3A_442 = vector.shape_cast %get3A_441 : vector<1x1x16xf32> to vector<16xf32>
        %mul3A_443 = arith.constant 8.000000e+00 : f32
        %mul3A_444 = vector.broadcast %mul3A_443 : f32 to vector<16xf32>
        %mul3A_445 = arith.mulf %get3A_442, %mul3A_444 : vector<16xf32>
        %swap3A_446 = arith.constant 1 : i32
        %swap3A_447 = arith.index_cast %swap3A_446 : i32 to index
        %swap3A_448 = arith.index_cast %scan3A_294 : i32 to index
        %swap3A_449 = arith.constant 112 : index
        %swap3A_450 = tpu.vector_load %arg7[%swap3A_447, %swap3A_448, %swap3A_449] {strides = array<i32>} : memref<4x64x128xf32, #tpu.memory_space<vmem>>, vector<1x1x16xf32>,
        %swap3A_451 = vector.shape_cast %swap3A_450 : vector<1x1x16xf32> to vector<16xf32>
        %swap3A_452 = vector.shape_cast %mul3A_445 : vector<16xf32> to vector<1x1x16xf32>
        tpu.vector_store %arg7[%swap3A_447, %swap3A_448, %swap3A_449], %swap3A_452 {strides = array<i32>} : memref<4x64x128xf32, #tpu.memory_space<vmem>>, vector<1x1x16xf32>,
      }
      %scan3A_180 = arith.constant 64 : i32
      %lt3A_181 = arith.constant 49 : i32
      %lt3A_182 = arith.cmpi slt, %scan3A_113, %lt3A_181 : i32
      %convert_element_type3A_183 = arith.extui %lt3A_182 : i1 to i32
      %cond3A_184 = arith.constant 0 : i32
      %cond3A_185 = arith.cmpi ne, %convert_element_type3A_183, %cond3A_184 : i32
      scf.if %cond3A_185 {
        %add3A_294 = arith.constant 4 : i32
        %add3A_295 = arith.addi %add3A_159, %add3A_294 : i32
        %dma_start3A_296 = arith.constant 1 : i32
        %dma_start3A_297 = arith.constant 0 : i32
        %dma_start3A_298 = arith.constant 0 : i32
        %dma_start3A_299 = tpu.memref_slice %arg6[%dma_start3A_296, %dma_start3A_297, %dma_start3A_298] : memref<4x128x64xf32, #tpu.memory_space<vmem>> -> memref<1x128x64xf32, #tpu.memory_space<vmem>>
        %dma_start3A_300 = tpu.memref_squeeze %dma_start3A_299 : memref<1x128x64xf32, #tpu.memory_space<vmem>> -> memref<128x64xf32, #tpu.memory_space<vmem>>
        %dma_start3A_301 = arith.constant 0 : i32
        %dma_start3A_302 = tpu.memref_slice %arg5[%add3A_295, %dma_start3A_301] : memref<200x128xi32, #tpu.memory_space<vmem>> -> memref<1x128xi32, #tpu.memory_space<vmem>>
        %dma_start3A_303 = tpu.memref_squeeze %dma_start3A_302 : memref<1x128xi32, #tpu.memory_space<vmem>> -> memref<128xi32, #tpu.memory_space<vmem>>
        %dma_start3A_304 = arith.constant 0 : i32
        %dma_start3A_305 = arith.constant 0 : i32
        %dma_start3A_306 = tpu.memref_slice %arg2[%dma_start3A_304, %dma_start3A_305] : memref<1000000x64xf32, #tpu.memory_space<hbm>> -> memref<1000000x64xf32, #tpu.memory_space<hbm>>
        tpu.enqueue_indirect_dma source(%dma_start3A_306 : memref<1000000x64xf32, #tpu.memory_space<hbm>>) target(%dma_start3A_300 : memref<128x64xf32, #tpu.memory_space<vmem>>) offsets(%dma_start3A_303 : memref<128xi32, #tpu.memory_space<vmem>>) semaphore(%arg8 : memref<!tpu.dma_semaphore, #tpu.memory_space<semaphore_mem>>)
      } else {
      }
      %add3A_186 = arith.addi %mul3A_2, %add3A_159 : i32
      %mul3A_187 = arith.constant 64 : i32
      %mul3A_188 = arith.muli %add3A_186, %mul3A_187 : i32
      %dma_start3A_189 = arith.constant 1 : i32
      %dma_start3A_190 = arith.constant 0 : i32
      %dma_start3A_191 = arith.constant 0 : i32
      %dma_start3A_192 = tpu.memref_slice %arg7[%dma_start3A_189, %dma_start3A_190, %dma_start3A_191] : memref<4x64x128xf32, #tpu.memory_space<vmem>> -> memref<1x64x128xf32, #tpu.memory_space<vmem>>
      %dma_start3A_193 = tpu.memref_squeeze %dma_start3A_192 : memref<1x64x128xf32, #tpu.memory_space<vmem>> -> memref<64x128xf32, #tpu.memory_space<vmem>>
      %dma_start3A_194 = arith.constant 0 : i32
      %dma_start3A_195 = tpu.memref_slice %arg4[%mul3A_188, %dma_start3A_194] : memref<409600x128xf32, #tpu.memory_space<hbm>> -> memref<64x128xf32, #tpu.memory_space<hbm>>
      %dma_start3A_196 = arith.constant 0 : i32
      %dma_start3A_197 = tpu.memref_slice %arg4[%mul3A_188, %dma_start3A_196] : memref<409600x128xf32, #tpu.memory_space<hbm>> -> memref<64x128xf32, #tpu.memory_space<hbm>>
      %dma_start3A_198 = arith.constant 0 : i32
      %dma_start3A_199 = arith.constant 0 : i32
      %dma_start3A_200 = tpu.memref_slice %arg7[%dma_start3A_189, %dma_start3A_198, %dma_start3A_199] : memref<4x64x128xf32, #tpu.memory_space<vmem>> -> memref<1x64x128xf32, #tpu.memory_space<vmem>>
      %dma_start3A_201 = tpu.memref_squeeze %dma_start3A_200 : memref<1x64x128xf32, #tpu.memory_space<vmem>> -> memref<64x128xf32, #tpu.memory_space<vmem>>
      tpu.enqueue_dma source(%dma_start3A_201 : memref<64x128xf32, #tpu.memory_space<vmem>>) target(%dma_start3A_197 : memref<64x128xf32, #tpu.memory_space<hbm>>) target_semaphore(%arg9 : memref<!tpu.dma_semaphore, #tpu.memory_space<semaphore_mem>>)
      %mul3A_202 = arith.constant 4 : i32
      %mul3A_203 = arith.muli %scan3A_113, %mul3A_202 : i32
      %add3A_204 = arith.constant 2 : i32
      %add3A_205 = arith.addi %mul3A_203, %add3A_204 : i32
      %dma_wait3A_206 = arith.constant 2 : i32
      %dma_wait3A_207 = arith.constant 0 : i32
      %dma_wait3A_208 = arith.constant 0 : i32
      %dma_wait3A_209 = tpu.memref_slice %arg6[%dma_wait3A_206, %dma_wait3A_207, %dma_wait3A_208] : memref<4x128x64xf32, #tpu.memory_space<vmem>> -> memref<1x128x64xf32, #tpu.memory_space<vmem>>
      %dma_wait3A_210 = tpu.memref_squeeze %dma_wait3A_209 : memref<1x128x64xf32, #tpu.memory_space<vmem>> -> memref<128x64xf32, #tpu.memory_space<vmem>>
      %dma_wait3A_211 = arith.constant 0 : i32
      %dma_wait3A_212 = tpu.memref_slice %arg5[%add3A_205, %dma_wait3A_211] : memref<200x128xi32, #tpu.memory_space<vmem>> -> memref<1x128xi32, #tpu.memory_space<vmem>>
      %dma_wait3A_213 = tpu.memref_squeeze %dma_wait3A_212 : memref<1x128xi32, #tpu.memory_space<vmem>> -> memref<128xi32, #tpu.memory_space<vmem>>
      %dma_wait3A_214 = arith.constant 0 : i32
      %dma_wait3A_215 = arith.constant 0 : i32
      %dma_wait3A_216 = tpu.memref_slice %arg2[%dma_wait3A_214, %dma_wait3A_215] : memref<1000000x64xf32, #tpu.memory_space<hbm>> -> memref<1000000x64xf32, #tpu.memory_space<hbm>>
      tpu.wait_indirect_dma semaphore(%arg8 : memref<!tpu.dma_semaphore, #tpu.memory_space<semaphore_mem>>) src(%dma_wait3A_216 : memref<1000000x64xf32, #tpu.memory_space<hbm>>) dst(%dma_wait3A_210 : memref<128x64xf32, #tpu.memory_space<vmem>>)
      %ge3A_217 = arith.constant 1 : i32
      %ge3A_218 = arith.cmpi sge, %scan3A_113, %ge3A_217 : i32
      %convert_element_type3A_219 = arith.extui %ge3A_218 : i1 to i32
      %cond3A_220 = arith.constant 0 : i32
      %cond3A_221 = arith.cmpi ne, %convert_element_type3A_219, %cond3A_220 : i32
      scf.if %cond3A_221 {
        %dma_wait3A_294 = arith.constant 2 : i32
        %dma_wait3A_295 = arith.constant 0 : i32
        %dma_wait3A_296 = arith.constant 0 : i32
        %dma_wait3A_297 = tpu.memref_slice %arg7[%dma_wait3A_294, %dma_wait3A_295, %dma_wait3A_296] : memref<4x64x128xf32, #tpu.memory_space<vmem>> -> memref<1x64x128xf32, #tpu.memory_space<vmem>>
        %dma_wait3A_298 = tpu.memref_squeeze %dma_wait3A_297 : memref<1x64x128xf32, #tpu.memory_space<vmem>> -> memref<64x128xf32, #tpu.memory_space<vmem>>
        %dma_wait3A_299 = arith.constant 0 : i32
        %dma_wait3A_300 = arith.constant 0 : i32
        %dma_wait3A_301 = tpu.memref_slice %arg4[%dma_wait3A_299, %dma_wait3A_300] : memref<409600x128xf32, #tpu.memory_space<hbm>> -> memref<64x128xf32, #tpu.memory_space<hbm>>
        %dma_wait3A_302 = arith.constant 0 : i32
        %dma_wait3A_303 = arith.constant 0 : i32
        %dma_wait3A_304 = tpu.memref_slice %arg4[%dma_wait3A_302, %dma_wait3A_303] : memref<409600x128xf32, #tpu.memory_space<hbm>> -> memref<64x128xf32, #tpu.memory_space<hbm>>
        %dma_wait3A_305 = arith.constant 0 : i32
        %dma_wait3A_306 = arith.constant 0 : i32
        %dma_wait3A_307 = tpu.memref_slice %arg7[%dma_wait3A_294, %dma_wait3A_305, %dma_wait3A_306] : memref<4x64x128xf32, #tpu.memory_space<vmem>> -> memref<1x64x128xf32, #tpu.memory_space<vmem>>
        %dma_wait3A_308 = tpu.memref_squeeze %dma_wait3A_307 : memref<1x64x128xf32, #tpu.memory_space<vmem>> -> memref<64x128xf32, #tpu.memory_space<vmem>>
        tpu.wait_dma2 semaphore(%arg9 : memref<!tpu.dma_semaphore, #tpu.memory_space<semaphore_mem>>) src(%dma_wait3A_308 : memref<64x128xf32, #tpu.memory_space<vmem>>) dst(%dma_wait3A_304 : memref<64x128xf32, #tpu.memory_space<hbm>>)
      } else {
      }
      %scan3A_222 = arith.constant 0 : i32
      %scan3A_223 = arith.constant 64 : i32
      %scan3A_224 = arith.addi %scan3A_222, %scan3A_223 : i32
      %scan3A_225 = arith.constant 1 : i32
      scf.for %scan3A_294 = %scan3A_222 to %scan3A_224 step %scan3A_225  : i32 {
        %mul3A_295 = arith.constant 2 : i32
        %mul3A_296 = arith.muli %mul3A_295, %scan3A_294 : i32
        %add3A_297 = arith.constant 0 : i32
        %add3A_298 = arith.addi %mul3A_296, %add3A_297 : i32
        %get3A = arith.constant 2 : i32
        %get3A_299 = arith.index_cast %get3A : i32 to index
        %get3A_300 = arith.index_cast %add3A_298 : i32 to index
        %get3A_301 = arith.constant 0 : index
        %get3A_302 = tpu.vector_load %arg6[%get3A_299, %get3A_300, %get3A_301] {strides = array<i32>} : memref<4x128x64xf32, #tpu.memory_space<vmem>>, vector<1x1x16xf32>,
        %get3A_303 = vector.shape_cast %get3A_302 : vector<1x1x16xf32> to vector<16xf32>
        %mul3A_304 = arith.constant 8.000000e+00 : f32
        %mul3A_305 = vector.broadcast %mul3A_304 : f32 to vector<16xf32>
        %mul3A_306 = arith.mulf %get3A_303, %mul3A_305 : vector<16xf32>
        %swap3A = arith.constant 2 : i32
        %swap3A_307 = arith.index_cast %swap3A : i32 to index
        %swap3A_308 = arith.index_cast %scan3A_294 : i32 to index
        %swap3A_309 = arith.constant 0 : index
        %swap3A_310 = tpu.vector_load %arg7[%swap3A_307, %swap3A_308, %swap3A_309] {strides = array<i32>} : memref<4x64x128xf32, #tpu.memory_space<vmem>>, vector<1x1x16xf32>,
        %swap3A_311 = vector.shape_cast %swap3A_310 : vector<1x1x16xf32> to vector<16xf32>
        %swap3A_312 = vector.shape_cast %mul3A_306 : vector<16xf32> to vector<1x1x16xf32>
        tpu.vector_store %arg7[%swap3A_307, %swap3A_308, %swap3A_309], %swap3A_312 {strides = array<i32>} : memref<4x64x128xf32, #tpu.memory_space<vmem>>, vector<1x1x16xf32>,
        %mul3A_313 = arith.constant 2 : i32
        %mul3A_314 = arith.muli %mul3A_313, %scan3A_294 : i32
        %add3A_315 = arith.constant 0 : i32
        %add3A_316 = arith.addi %mul3A_314, %add3A_315 : i32
        %get3A_317 = arith.constant 2 : i32
        %get3A_318 = arith.index_cast %get3A_317 : i32 to index
        %get3A_319 = arith.index_cast %add3A_316 : i32 to index
        %get3A_320 = arith.constant 16 : index
        %get3A_321 = tpu.vector_load %arg6[%get3A_318, %get3A_319, %get3A_320] {strides = array<i32>} : memref<4x128x64xf32, #tpu.memory_space<vmem>>, vector<1x1x16xf32>,
        %get3A_322 = vector.shape_cast %get3A_321 : vector<1x1x16xf32> to vector<16xf32>
        %mul3A_323 = arith.constant 8.000000e+00 : f32
        %mul3A_324 = vector.broadcast %mul3A_323 : f32 to vector<16xf32>
        %mul3A_325 = arith.mulf %get3A_322, %mul3A_324 : vector<16xf32>
        %swap3A_326 = arith.constant 2 : i32
        %swap3A_327 = arith.index_cast %swap3A_326 : i32 to index
        %swap3A_328 = arith.index_cast %scan3A_294 : i32 to index
        %swap3A_329 = arith.constant 16 : index
        %swap3A_330 = tpu.vector_load %arg7[%swap3A_327, %swap3A_328, %swap3A_329] {strides = array<i32>} : memref<4x64x128xf32, #tpu.memory_space<vmem>>, vector<1x1x16xf32>,
        %swap3A_331 = vector.shape_cast %swap3A_330 : vector<1x1x16xf32> to vector<16xf32>
        %swap3A_332 = vector.shape_cast %mul3A_325 : vector<16xf32> to vector<1x1x16xf32>
        tpu.vector_store %arg7[%swap3A_327, %swap3A_328, %swap3A_329], %swap3A_332 {strides = array<i32>} : memref<4x64x128xf32, #tpu.memory_space<vmem>>, vector<1x1x16xf32>,
        %mul3A_333 = arith.constant 2 : i32
        %mul3A_334 = arith.muli %mul3A_333, %scan3A_294 : i32
        %add3A_335 = arith.constant 0 : i32
        %add3A_336 = arith.addi %mul3A_334, %add3A_335 : i32
        %get3A_337 = arith.constant 2 : i32
        %get3A_338 = arith.index_cast %get3A_337 : i32 to index
        %get3A_339 = arith.index_cast %add3A_336 : i32 to index
        %get3A_340 = arith.constant 32 : index
        %get3A_341 = tpu.vector_load %arg6[%get3A_338, %get3A_339, %get3A_340] {strides = array<i32>} : memref<4x128x64xf32, #tpu.memory_space<vmem>>, vector<1x1x16xf32>,
        %get3A_342 = vector.shape_cast %get3A_341 : vector<1x1x16xf32> to vector<16xf32>
        %mul3A_343 = arith.constant 8.000000e+00 : f32
        %mul3A_344 = vector.broadcast %mul3A_343 : f32 to vector<16xf32>
        %mul3A_345 = arith.mulf %get3A_342, %mul3A_344 : vector<16xf32>
        %swap3A_346 = arith.constant 2 : i32
        %swap3A_347 = arith.index_cast %swap3A_346 : i32 to index
        %swap3A_348 = arith.index_cast %scan3A_294 : i32 to index
        %swap3A_349 = arith.constant 32 : index
        %swap3A_350 = tpu.vector_load %arg7[%swap3A_347, %swap3A_348, %swap3A_349] {strides = array<i32>} : memref<4x64x128xf32, #tpu.memory_space<vmem>>, vector<1x1x16xf32>,
        %swap3A_351 = vector.shape_cast %swap3A_350 : vector<1x1x16xf32> to vector<16xf32>
        %swap3A_352 = vector.shape_cast %mul3A_345 : vector<16xf32> to vector<1x1x16xf32>
        tpu.vector_store %arg7[%swap3A_347, %swap3A_348, %swap3A_349], %swap3A_352 {strides = array<i32>} : memref<4x64x128xf32, #tpu.memory_space<vmem>>, vector<1x1x16xf32>,
        %mul3A_353 = arith.constant 2 : i32
        %mul3A_354 = arith.muli %mul3A_353, %scan3A_294 : i32
        %add3A_355 = arith.constant 0 : i32
        %add3A_356 = arith.addi %mul3A_354, %add3A_355 : i32
        %get3A_357 = arith.constant 2 : i32
        %get3A_358 = arith.index_cast %get3A_357 : i32 to index
        %get3A_359 = arith.index_cast %add3A_356 : i32 to index
        %get3A_360 = arith.constant 48 : index
        %get3A_361 = tpu.vector_load %arg6[%get3A_358, %get3A_359, %get3A_360] {strides = array<i32>} : memref<4x128x64xf32, #tpu.memory_space<vmem>>, vector<1x1x16xf32>,
        %get3A_362 = vector.shape_cast %get3A_361 : vector<1x1x16xf32> to vector<16xf32>
        %mul3A_363 = arith.constant 8.000000e+00 : f32
        %mul3A_364 = vector.broadcast %mul3A_363 : f32 to vector<16xf32>
        %mul3A_365 = arith.mulf %get3A_362, %mul3A_364 : vector<16xf32>
        %swap3A_366 = arith.constant 2 : i32
        %swap3A_367 = arith.index_cast %swap3A_366 : i32 to index
        %swap3A_368 = arith.index_cast %scan3A_294 : i32 to index
        %swap3A_369 = arith.constant 48 : index
        %swap3A_370 = tpu.vector_load %arg7[%swap3A_367, %swap3A_368, %swap3A_369] {strides = array<i32>} : memref<4x64x128xf32, #tpu.memory_space<vmem>>, vector<1x1x16xf32>,
        %swap3A_371 = vector.shape_cast %swap3A_370 : vector<1x1x16xf32> to vector<16xf32>
        %swap3A_372 = vector.shape_cast %mul3A_365 : vector<16xf32> to vector<1x1x16xf32>
        tpu.vector_store %arg7[%swap3A_367, %swap3A_368, %swap3A_369], %swap3A_372 {strides = array<i32>} : memref<4x64x128xf32, #tpu.memory_space<vmem>>, vector<1x1x16xf32>,
        %mul3A_373 = arith.constant 2 : i32
        %mul3A_374 = arith.muli %mul3A_373, %scan3A_294 : i32
        %add3A_375 = arith.constant 1 : i32
        %add3A_376 = arith.addi %mul3A_374, %add3A_375 : i32
        %get3A_377 = arith.constant 2 : i32
        %get3A_378 = arith.index_cast %get3A_377 : i32 to index
        %get3A_379 = arith.index_cast %add3A_376 : i32 to index
        %get3A_380 = arith.constant 0 : index
        %get3A_381 = tpu.vector_load %arg6[%get3A_378, %get3A_379, %get3A_380] {strides = array<i32>} : memref<4x128x64xf32, #tpu.memory_space<vmem>>, vector<1x1x16xf32>,
        %get3A_382 = vector.shape_cast %get3A_381 : vector<1x1x16xf32> to vector<16xf32>
        %mul3A_383 = arith.constant 8.000000e+00 : f32
        %mul3A_384 = vector.broadcast %mul3A_383 : f32 to vector<16xf32>
        %mul3A_385 = arith.mulf %get3A_382, %mul3A_384 : vector<16xf32>
        %swap3A_386 = arith.constant 2 : i32
        %swap3A_387 = arith.index_cast %swap3A_386 : i32 to index
        %swap3A_388 = arith.index_cast %scan3A_294 : i32 to index
        %swap3A_389 = arith.constant 64 : index
        %swap3A_390 = tpu.vector_load %arg7[%swap3A_387, %swap3A_388, %swap3A_389] {strides = array<i32>} : memref<4x64x128xf32, #tpu.memory_space<vmem>>, vector<1x1x16xf32>,
        %swap3A_391 = vector.shape_cast %swap3A_390 : vector<1x1x16xf32> to vector<16xf32>
        %swap3A_392 = vector.shape_cast %mul3A_385 : vector<16xf32> to vector<1x1x16xf32>
        tpu.vector_store %arg7[%swap3A_387, %swap3A_388, %swap3A_389], %swap3A_392 {strides = array<i32>} : memref<4x64x128xf32, #tpu.memory_space<vmem>>, vector<1x1x16xf32>,
        %mul3A_393 = arith.constant 2 : i32
        %mul3A_394 = arith.muli %mul3A_393, %scan3A_294 : i32
        %add3A_395 = arith.constant 1 : i32
        %add3A_396 = arith.addi %mul3A_394, %add3A_395 : i32
        %get3A_397 = arith.constant 2 : i32
        %get3A_398 = arith.index_cast %get3A_397 : i32 to index
        %get3A_399 = arith.index_cast %add3A_396 : i32 to index
        %get3A_400 = arith.constant 16 : index
        %get3A_401 = tpu.vector_load %arg6[%get3A_398, %get3A_399, %get3A_400] {strides = array<i32>} : memref<4x128x64xf32, #tpu.memory_space<vmem>>, vector<1x1x16xf32>,
        %get3A_402 = vector.shape_cast %get3A_401 : vector<1x1x16xf32> to vector<16xf32>
        %mul3A_403 = arith.constant 8.000000e+00 : f32
        %mul3A_404 = vector.broadcast %mul3A_403 : f32 to vector<16xf32>
        %mul3A_405 = arith.mulf %get3A_402, %mul3A_404 : vector<16xf32>
        %swap3A_406 = arith.constant 2 : i32
        %swap3A_407 = arith.index_cast %swap3A_406 : i32 to index
        %swap3A_408 = arith.index_cast %scan3A_294 : i32 to index
        %swap3A_409 = arith.constant 80 : index
        %swap3A_410 = tpu.vector_load %arg7[%swap3A_407, %swap3A_408, %swap3A_409] {strides = array<i32>} : memref<4x64x128xf32, #tpu.memory_space<vmem>>, vector<1x1x16xf32>,
        %swap3A_411 = vector.shape_cast %swap3A_410 : vector<1x1x16xf32> to vector<16xf32>
        %swap3A_412 = vector.shape_cast %mul3A_405 : vector<16xf32> to vector<1x1x16xf32>
        tpu.vector_store %arg7[%swap3A_407, %swap3A_408, %swap3A_409], %swap3A_412 {strides = array<i32>} : memref<4x64x128xf32, #tpu.memory_space<vmem>>, vector<1x1x16xf32>,
        %mul3A_413 = arith.constant 2 : i32
        %mul3A_414 = arith.muli %mul3A_413, %scan3A_294 : i32
        %add3A_415 = arith.constant 1 : i32
        %add3A_416 = arith.addi %mul3A_414, %add3A_415 : i32
        %get3A_417 = arith.constant 2 : i32
        %get3A_418 = arith.index_cast %get3A_417 : i32 to index
        %get3A_419 = arith.index_cast %add3A_416 : i32 to index
        %get3A_420 = arith.constant 32 : index
        %get3A_421 = tpu.vector_load %arg6[%get3A_418, %get3A_419, %get3A_420] {strides = array<i32>} : memref<4x128x64xf32, #tpu.memory_space<vmem>>, vector<1x1x16xf32>,
        %get3A_422 = vector.shape_cast %get3A_421 : vector<1x1x16xf32> to vector<16xf32>
        %mul3A_423 = arith.constant 8.000000e+00 : f32
        %mul3A_424 = vector.broadcast %mul3A_423 : f32 to vector<16xf32>
        %mul3A_425 = arith.mulf %get3A_422, %mul3A_424 : vector<16xf32>
        %swap3A_426 = arith.constant 2 : i32
        %swap3A_427 = arith.index_cast %swap3A_426 : i32 to index
        %swap3A_428 = arith.index_cast %scan3A_294 : i32 to index
        %swap3A_429 = arith.constant 96 : index
        %swap3A_430 = tpu.vector_load %arg7[%swap3A_427, %swap3A_428, %swap3A_429] {strides = array<i32>} : memref<4x64x128xf32, #tpu.memory_space<vmem>>, vector<1x1x16xf32>,
        %swap3A_431 = vector.shape_cast %swap3A_430 : vector<1x1x16xf32> to vector<16xf32>
        %swap3A_432 = vector.shape_cast %mul3A_425 : vector<16xf32> to vector<1x1x16xf32>
        tpu.vector_store %arg7[%swap3A_427, %swap3A_428, %swap3A_429], %swap3A_432 {strides = array<i32>} : memref<4x64x128xf32, #tpu.memory_space<vmem>>, vector<1x1x16xf32>,
        %mul3A_433 = arith.constant 2 : i32
        %mul3A_434 = arith.muli %mul3A_433, %scan3A_294 : i32
        %add3A_435 = arith.constant 1 : i32
        %add3A_436 = arith.addi %mul3A_434, %add3A_435 : i32
        %get3A_437 = arith.constant 2 : i32
        %get3A_438 = arith.index_cast %get3A_437 : i32 to index
        %get3A_439 = arith.index_cast %add3A_436 : i32 to index
        %get3A_440 = arith.constant 48 : index
        %get3A_441 = tpu.vector_load %arg6[%get3A_438, %get3A_439, %get3A_440] {strides = array<i32>} : memref<4x128x64xf32, #tpu.memory_space<vmem>>, vector<1x1x16xf32>,
        %get3A_442 = vector.shape_cast %get3A_441 : vector<1x1x16xf32> to vector<16xf32>
        %mul3A_443 = arith.constant 8.000000e+00 : f32
        %mul3A_444 = vector.broadcast %mul3A_443 : f32 to vector<16xf32>
        %mul3A_445 = arith.mulf %get3A_442, %mul3A_444 : vector<16xf32>
        %swap3A_446 = arith.constant 2 : i32
        %swap3A_447 = arith.index_cast %swap3A_446 : i32 to index
        %swap3A_448 = arith.index_cast %scan3A_294 : i32 to index
        %swap3A_449 = arith.constant 112 : index
        %swap3A_450 = tpu.vector_load %arg7[%swap3A_447, %swap3A_448, %swap3A_449] {strides = array<i32>} : memref<4x64x128xf32, #tpu.memory_space<vmem>>, vector<1x1x16xf32>,
        %swap3A_451 = vector.shape_cast %swap3A_450 : vector<1x1x16xf32> to vector<16xf32>
        %swap3A_452 = vector.shape_cast %mul3A_445 : vector<16xf32> to vector<1x1x16xf32>
        tpu.vector_store %arg7[%swap3A_447, %swap3A_448, %swap3A_449], %swap3A_452 {strides = array<i32>} : memref<4x64x128xf32, #tpu.memory_space<vmem>>, vector<1x1x16xf32>,
      }
      %scan3A_226 = arith.constant 64 : i32
      %lt3A_227 = arith.constant 49 : i32
      %lt3A_228 = arith.cmpi slt, %scan3A_113, %lt3A_227 : i32
      %convert_element_type3A_229 = arith.extui %lt3A_228 : i1 to i32
      %cond3A_230 = arith.constant 0 : i32
      %cond3A_231 = arith.cmpi ne, %convert_element_type3A_229, %cond3A_230 : i32
      scf.if %cond3A_231 {
        %add3A_294 = arith.constant 4 : i32
        %add3A_295 = arith.addi %add3A_205, %add3A_294 : i32
        %dma_start3A_296 = arith.constant 2 : i32
        %dma_start3A_297 = arith.constant 0 : i32
        %dma_start3A_298 = arith.constant 0 : i32
        %dma_start3A_299 = tpu.memref_slice %arg6[%dma_start3A_296, %dma_start3A_297, %dma_start3A_298] : memref<4x128x64xf32, #tpu.memory_space<vmem>> -> memref<1x128x64xf32, #tpu.memory_space<vmem>>
        %dma_start3A_300 = tpu.memref_squeeze %dma_start3A_299 : memref<1x128x64xf32, #tpu.memory_space<vmem>> -> memref<128x64xf32, #tpu.memory_space<vmem>>
        %dma_start3A_301 = arith.constant 0 : i32
        %dma_start3A_302 = tpu.memref_slice %arg5[%add3A_295, %dma_start3A_301] : memref<200x128xi32, #tpu.memory_space<vmem>> -> memref<1x128xi32, #tpu.memory_space<vmem>>
        %dma_start3A_303 = tpu.memref_squeeze %dma_start3A_302 : memref<1x128xi32, #tpu.memory_space<vmem>> -> memref<128xi32, #tpu.memory_space<vmem>>
        %dma_start3A_304 = arith.constant 0 : i32
        %dma_start3A_305 = arith.constant 0 : i32
        %dma_start3A_306 = tpu.memref_slice %arg2[%dma_start3A_304, %dma_start3A_305] : memref<1000000x64xf32, #tpu.memory_space<hbm>> -> memref<1000000x64xf32, #tpu.memory_space<hbm>>
        tpu.enqueue_indirect_dma source(%dma_start3A_306 : memref<1000000x64xf32, #tpu.memory_space<hbm>>) target(%dma_start3A_300 : memref<128x64xf32, #tpu.memory_space<vmem>>) offsets(%dma_start3A_303 : memref<128xi32, #tpu.memory_space<vmem>>) semaphore(%arg8 : memref<!tpu.dma_semaphore, #tpu.memory_space<semaphore_mem>>)
      } else {
      }
      %add3A_232 = arith.addi %mul3A_2, %add3A_205 : i32
      %mul3A_233 = arith.constant 64 : i32
      %mul3A_234 = arith.muli %add3A_232, %mul3A_233 : i32
      %dma_start3A_235 = arith.constant 2 : i32
      %dma_start3A_236 = arith.constant 0 : i32
      %dma_start3A_237 = arith.constant 0 : i32
      %dma_start3A_238 = tpu.memref_slice %arg7[%dma_start3A_235, %dma_start3A_236, %dma_start3A_237] : memref<4x64x128xf32, #tpu.memory_space<vmem>> -> memref<1x64x128xf32, #tpu.memory_space<vmem>>
      %dma_start3A_239 = tpu.memref_squeeze %dma_start3A_238 : memref<1x64x128xf32, #tpu.memory_space<vmem>> -> memref<64x128xf32, #tpu.memory_space<vmem>>
      %dma_start3A_240 = arith.constant 0 : i32
      %dma_start3A_241 = tpu.memref_slice %arg4[%mul3A_234, %dma_start3A_240] : memref<409600x128xf32, #tpu.memory_space<hbm>> -> memref<64x128xf32, #tpu.memory_space<hbm>>
      %dma_start3A_242 = arith.constant 0 : i32
      %dma_start3A_243 = tpu.memref_slice %arg4[%mul3A_234, %dma_start3A_242] : memref<409600x128xf32, #tpu.memory_space<hbm>> -> memref<64x128xf32, #tpu.memory_space<hbm>>
      %dma_start3A_244 = arith.constant 0 : i32
      %dma_start3A_245 = arith.constant 0 : i32
      %dma_start3A_246 = tpu.memref_slice %arg7[%dma_start3A_235, %dma_start3A_244, %dma_start3A_245] : memref<4x64x128xf32, #tpu.memory_space<vmem>> -> memref<1x64x128xf32, #tpu.memory_space<vmem>>
      %dma_start3A_247 = tpu.memref_squeeze %dma_start3A_246 : memref<1x64x128xf32, #tpu.memory_space<vmem>> -> memref<64x128xf32, #tpu.memory_space<vmem>>
      tpu.enqueue_dma source(%dma_start3A_247 : memref<64x128xf32, #tpu.memory_space<vmem>>) target(%dma_start3A_243 : memref<64x128xf32, #tpu.memory_space<hbm>>) target_semaphore(%arg9 : memref<!tpu.dma_semaphore, #tpu.memory_space<semaphore_mem>>)
      %mul3A_248 = arith.constant 4 : i32
      %mul3A_249 = arith.muli %scan3A_113, %mul3A_248 : i32
      %add3A_250 = arith.constant 3 : i32
      %add3A_251 = arith.addi %mul3A_249, %add3A_250 : i32
      %dma_wait3A_252 = arith.constant 3 : i32
      %dma_wait3A_253 = arith.constant 0 : i32
      %dma_wait3A_254 = arith.constant 0 : i32
      %dma_wait3A_255 = tpu.memref_slice %arg6[%dma_wait3A_252, %dma_wait3A_253, %dma_wait3A_254] : memref<4x128x64xf32, #tpu.memory_space<vmem>> -> memref<1x128x64xf32, #tpu.memory_space<vmem>>
      %dma_wait3A_256 = tpu.memref_squeeze %dma_wait3A_255 : memref<1x128x64xf32, #tpu.memory_space<vmem>> -> memref<128x64xf32, #tpu.memory_space<vmem>>
      %dma_wait3A_257 = arith.constant 0 : i32
      %dma_wait3A_258 = tpu.memref_slice %arg5[%add3A_251, %dma_wait3A_257] : memref<200x128xi32, #tpu.memory_space<vmem>> -> memref<1x128xi32, #tpu.memory_space<vmem>>
      %dma_wait3A_259 = tpu.memref_squeeze %dma_wait3A_258 : memref<1x128xi32, #tpu.memory_space<vmem>> -> memref<128xi32, #tpu.memory_space<vmem>>
      %dma_wait3A_260 = arith.constant 0 : i32
      %dma_wait3A_261 = arith.constant 0 : i32
      %dma_wait3A_262 = tpu.memref_slice %arg2[%dma_wait3A_260, %dma_wait3A_261] : memref<1000000x64xf32, #tpu.memory_space<hbm>> -> memref<1000000x64xf32, #tpu.memory_space<hbm>>
      tpu.wait_indirect_dma semaphore(%arg8 : memref<!tpu.dma_semaphore, #tpu.memory_space<semaphore_mem>>) src(%dma_wait3A_262 : memref<1000000x64xf32, #tpu.memory_space<hbm>>) dst(%dma_wait3A_256 : memref<128x64xf32, #tpu.memory_space<vmem>>)
      %ge3A_263 = arith.constant 1 : i32
      %ge3A_264 = arith.cmpi sge, %scan3A_113, %ge3A_263 : i32
      %convert_element_type3A_265 = arith.extui %ge3A_264 : i1 to i32
      %cond3A_266 = arith.constant 0 : i32
      %cond3A_267 = arith.cmpi ne, %convert_element_type3A_265, %cond3A_266 : i32
      scf.if %cond3A_267 {
        %dma_wait3A_294 = arith.constant 3 : i32
        %dma_wait3A_295 = arith.constant 0 : i32
        %dma_wait3A_296 = arith.constant 0 : i32
        %dma_wait3A_297 = tpu.memref_slice %arg7[%dma_wait3A_294, %dma_wait3A_295, %dma_wait3A_296] : memref<4x64x128xf32, #tpu.memory_space<vmem>> -> memref<1x64x128xf32, #tpu.memory_space<vmem>>
        %dma_wait3A_298 = tpu.memref_squeeze %dma_wait3A_297 : memref<1x64x128xf32, #tpu.memory_space<vmem>> -> memref<64x128xf32, #tpu.memory_space<vmem>>
        %dma_wait3A_299 = arith.constant 0 : i32
        %dma_wait3A_300 = arith.constant 0 : i32
        %dma_wait3A_301 = tpu.memref_slice %arg4[%dma_wait3A_299, %dma_wait3A_300] : memref<409600x128xf32, #tpu.memory_space<hbm>> -> memref<64x128xf32, #tpu.memory_space<hbm>>
        %dma_wait3A_302 = arith.constant 0 : i32
        %dma_wait3A_303 = arith.constant 0 : i32
        %dma_wait3A_304 = tpu.memref_slice %arg4[%dma_wait3A_302, %dma_wait3A_303] : memref<409600x128xf32, #tpu.memory_space<hbm>> -> memref<64x128xf32, #tpu.memory_space<hbm>>
        %dma_wait3A_305 = arith.constant 0 : i32
        %dma_wait3A_306 = arith.constant 0 : i32
        %dma_wait3A_307 = tpu.memref_slice %arg7[%dma_wait3A_294, %dma_wait3A_305, %dma_wait3A_306] : memref<4x64x128xf32, #tpu.memory_space<vmem>> -> memref<1x64x128xf32, #tpu.memory_space<vmem>>
        %dma_wait3A_308 = tpu.memref_squeeze %dma_wait3A_307 : memref<1x64x128xf32, #tpu.memory_space<vmem>> -> memref<64x128xf32, #tpu.memory_space<vmem>>
        tpu.wait_dma2 semaphore(%arg9 : memref<!tpu.dma_semaphore, #tpu.memory_space<semaphore_mem>>) src(%dma_wait3A_308 : memref<64x128xf32, #tpu.memory_space<vmem>>) dst(%dma_wait3A_304 : memref<64x128xf32, #tpu.memory_space<hbm>>)
      } else {
      }
      %scan3A_268 = arith.constant 0 : i32
      %scan3A_269 = arith.constant 64 : i32
      %scan3A_270 = arith.addi %scan3A_268, %scan3A_269 : i32
      %scan3A_271 = arith.constant 1 : i32
      scf.for %scan3A_294 = %scan3A_268 to %scan3A_270 step %scan3A_271  : i32 {
        %mul3A_295 = arith.constant 2 : i32
        %mul3A_296 = arith.muli %mul3A_295, %scan3A_294 : i32
        %add3A_297 = arith.constant 0 : i32
        %add3A_298 = arith.addi %mul3A_296, %add3A_297 : i32
        %get3A = arith.constant 3 : i32
        %get3A_299 = arith.index_cast %get3A : i32 to index
        %get3A_300 = arith.index_cast %add3A_298 : i32 to index
        %get3A_301 = arith.constant 0 : index
        %get3A_302 = tpu.vector_load %arg6[%get3A_299, %get3A_300, %get3A_301] {strides = array<i32>} : memref<4x128x64xf32, #tpu.memory_space<vmem>>, vector<1x1x16xf32>,
        %get3A_303 = vector.shape_cast %get3A_302 : vector<1x1x16xf32> to vector<16xf32>
        %mul3A_304 = arith.constant 8.000000e+00 : f32
        %mul3A_305 = vector.broadcast %mul3A_304 : f32 to vector<16xf32>
        %mul3A_306 = arith.mulf %get3A_303, %mul3A_305 : vector<16xf32>
        %swap3A = arith.constant 3 : i32
        %swap3A_307 = arith.index_cast %swap3A : i32 to index
        %swap3A_308 = arith.index_cast %scan3A_294 : i32 to index
        %swap3A_309 = arith.constant 0 : index
        %swap3A_310 = tpu.vector_load %arg7[%swap3A_307, %swap3A_308, %swap3A_309] {strides = array<i32>} : memref<4x64x128xf32, #tpu.memory_space<vmem>>, vector<1x1x16xf32>,
        %swap3A_311 = vector.shape_cast %swap3A_310 : vector<1x1x16xf32> to vector<16xf32>
        %swap3A_312 = vector.shape_cast %mul3A_306 : vector<16xf32> to vector<1x1x16xf32>
        tpu.vector_store %arg7[%swap3A_307, %swap3A_308, %swap3A_309], %swap3A_312 {strides = array<i32>} : memref<4x64x128xf32, #tpu.memory_space<vmem>>, vector<1x1x16xf32>,
        %mul3A_313 = arith.constant 2 : i32
        %mul3A_314 = arith.muli %mul3A_313, %scan3A_294 : i32
        %add3A_315 = arith.constant 0 : i32
        %add3A_316 = arith.addi %mul3A_314, %add3A_315 : i32
        %get3A_317 = arith.constant 3 : i32
        %get3A_318 = arith.index_cast %get3A_317 : i32 to index
        %get3A_319 = arith.index_cast %add3A_316 : i32 to index
        %get3A_320 = arith.constant 16 : index
        %get3A_321 = tpu.vector_load %arg6[%get3A_318, %get3A_319, %get3A_320] {strides = array<i32>} : memref<4x128x64xf32, #tpu.memory_space<vmem>>, vector<1x1x16xf32>,
        %get3A_322 = vector.shape_cast %get3A_321 : vector<1x1x16xf32> to vector<16xf32>
        %mul3A_323 = arith.constant 8.000000e+00 : f32
        %mul3A_324 = vector.broadcast %mul3A_323 : f32 to vector<16xf32>
        %mul3A_325 = arith.mulf %get3A_322, %mul3A_324 : vector<16xf32>
        %swap3A_326 = arith.constant 3 : i32
        %swap3A_327 = arith.index_cast %swap3A_326 : i32 to index
        %swap3A_328 = arith.index_cast %scan3A_294 : i32 to index
        %swap3A_329 = arith.constant 16 : index
        %swap3A_330 = tpu.vector_load %arg7[%swap3A_327, %swap3A_328, %swap3A_329] {strides = array<i32>} : memref<4x64x128xf32, #tpu.memory_space<vmem>>, vector<1x1x16xf32>,
        %swap3A_331 = vector.shape_cast %swap3A_330 : vector<1x1x16xf32> to vector<16xf32>
        %swap3A_332 = vector.shape_cast %mul3A_325 : vector<16xf32> to vector<1x1x16xf32>
        tpu.vector_store %arg7[%swap3A_327, %swap3A_328, %swap3A_329], %swap3A_332 {strides = array<i32>} : memref<4x64x128xf32, #tpu.memory_space<vmem>>, vector<1x1x16xf32>,
        %mul3A_333 = arith.constant 2 : i32
        %mul3A_334 = arith.muli %mul3A_333, %scan3A_294 : i32
        %add3A_335 = arith.constant 0 : i32
        %add3A_336 = arith.addi %mul3A_334, %add3A_335 : i32
        %get3A_337 = arith.constant 3 : i32
        %get3A_338 = arith.index_cast %get3A_337 : i32 to index
        %get3A_339 = arith.index_cast %add3A_336 : i32 to index
        %get3A_340 = arith.constant 32 : index
        %get3A_341 = tpu.vector_load %arg6[%get3A_338, %get3A_339, %get3A_340] {strides = array<i32>} : memref<4x128x64xf32, #tpu.memory_space<vmem>>, vector<1x1x16xf32>,
        %get3A_342 = vector.shape_cast %get3A_341 : vector<1x1x16xf32> to vector<16xf32>
        %mul3A_343 = arith.constant 8.000000e+00 : f32
        %mul3A_344 = vector.broadcast %mul3A_343 : f32 to vector<16xf32>
        %mul3A_345 = arith.mulf %get3A_342, %mul3A_344 : vector<16xf32>
        %swap3A_346 = arith.constant 3 : i32
        %swap3A_347 = arith.index_cast %swap3A_346 : i32 to index
        %swap3A_348 = arith.index_cast %scan3A_294 : i32 to index
        %swap3A_349 = arith.constant 32 : index
        %swap3A_350 = tpu.vector_load %arg7[%swap3A_347, %swap3A_348, %swap3A_349] {strides = array<i32>} : memref<4x64x128xf32, #tpu.memory_space<vmem>>, vector<1x1x16xf32>,
        %swap3A_351 = vector.shape_cast %swap3A_350 : vector<1x1x16xf32> to vector<16xf32>
        %swap3A_352 = vector.shape_cast %mul3A_345 : vector<16xf32> to vector<1x1x16xf32>
        tpu.vector_store %arg7[%swap3A_347, %swap3A_348, %swap3A_349], %swap3A_352 {strides = array<i32>} : memref<4x64x128xf32, #tpu.memory_space<vmem>>, vector<1x1x16xf32>,
        %mul3A_353 = arith.constant 2 : i32
        %mul3A_354 = arith.muli %mul3A_353, %scan3A_294 : i32
        %add3A_355 = arith.constant 0 : i32
        %add3A_356 = arith.addi %mul3A_354, %add3A_355 : i32
        %get3A_357 = arith.constant 3 : i32
        %get3A_358 = arith.index_cast %get3A_357 : i32 to index
        %get3A_359 = arith.index_cast %add3A_356 : i32 to index
        %get3A_360 = arith.constant 48 : index
        %get3A_361 = tpu.vector_load %arg6[%get3A_358, %get3A_359, %get3A_360] {strides = array<i32>} : memref<4x128x64xf32, #tpu.memory_space<vmem>>, vector<1x1x16xf32>,
        %get3A_362 = vector.shape_cast %get3A_361 : vector<1x1x16xf32> to vector<16xf32>
        %mul3A_363 = arith.constant 8.000000e+00 : f32
        %mul3A_364 = vector.broadcast %mul3A_363 : f32 to vector<16xf32>
        %mul3A_365 = arith.mulf %get3A_362, %mul3A_364 : vector<16xf32>
        %swap3A_366 = arith.constant 3 : i32
        %swap3A_367 = arith.index_cast %swap3A_366 : i32 to index
        %swap3A_368 = arith.index_cast %scan3A_294 : i32 to index
        %swap3A_369 = arith.constant 48 : index
        %swap3A_370 = tpu.vector_load %arg7[%swap3A_367, %swap3A_368, %swap3A_369] {strides = array<i32>} : memref<4x64x128xf32, #tpu.memory_space<vmem>>, vector<1x1x16xf32>,
        %swap3A_371 = vector.shape_cast %swap3A_370 : vector<1x1x16xf32> to vector<16xf32>
        %swap3A_372 = vector.shape_cast %mul3A_365 : vector<16xf32> to vector<1x1x16xf32>
        tpu.vector_store %arg7[%swap3A_367, %swap3A_368, %swap3A_369], %swap3A_372 {strides = array<i32>} : memref<4x64x128xf32, #tpu.memory_space<vmem>>, vector<1x1x16xf32>,
        %mul3A_373 = arith.constant 2 : i32
        %mul3A_374 = arith.muli %mul3A_373, %scan3A_294 : i32
        %add3A_375 = arith.constant 1 : i32
        %add3A_376 = arith.addi %mul3A_374, %add3A_375 : i32
        %get3A_377 = arith.constant 3 : i32
        %get3A_378 = arith.index_cast %get3A_377 : i32 to index
        %get3A_379 = arith.index_cast %add3A_376 : i32 to index
        %get3A_380 = arith.constant 0 : index
        %get3A_381 = tpu.vector_load %arg6[%get3A_378, %get3A_379, %get3A_380] {strides = array<i32>} : memref<4x128x64xf32, #tpu.memory_space<vmem>>, vector<1x1x16xf32>,
        %get3A_382 = vector.shape_cast %get3A_381 : vector<1x1x16xf32> to vector<16xf32>
        %mul3A_383 = arith.constant 8.000000e+00 : f32
        %mul3A_384 = vector.broadcast %mul3A_383 : f32 to vector<16xf32>
        %mul3A_385 = arith.mulf %get3A_382, %mul3A_384 : vector<16xf32>
        %swap3A_386 = arith.constant 3 : i32
        %swap3A_387 = arith.index_cast %swap3A_386 : i32 to index
        %swap3A_388 = arith.index_cast %scan3A_294 : i32 to index
        %swap3A_389 = arith.constant 64 : index
        %swap3A_390 = tpu.vector_load %arg7[%swap3A_387, %swap3A_388, %swap3A_389] {strides = array<i32>} : memref<4x64x128xf32, #tpu.memory_space<vmem>>, vector<1x1x16xf32>,
        %swap3A_391 = vector.shape_cast %swap3A_390 : vector<1x1x16xf32> to vector<16xf32>
        %swap3A_392 = vector.shape_cast %mul3A_385 : vector<16xf32> to vector<1x1x16xf32>
        tpu.vector_store %arg7[%swap3A_387, %swap3A_388, %swap3A_389], %swap3A_392 {strides = array<i32>} : memref<4x64x128xf32, #tpu.memory_space<vmem>>, vector<1x1x16xf32>,
        %mul3A_393 = arith.constant 2 : i32
        %mul3A_394 = arith.muli %mul3A_393, %scan3A_294 : i32
        %add3A_395 = arith.constant 1 : i32
        %add3A_396 = arith.addi %mul3A_394, %add3A_395 : i32
        %get3A_397 = arith.constant 3 : i32
        %get3A_398 = arith.index_cast %get3A_397 : i32 to index
        %get3A_399 = arith.index_cast %add3A_396 : i32 to index
        %get3A_400 = arith.constant 16 : index
        %get3A_401 = tpu.vector_load %arg6[%get3A_398, %get3A_399, %get3A_400] {strides = array<i32>} : memref<4x128x64xf32, #tpu.memory_space<vmem>>, vector<1x1x16xf32>,
        %get3A_402 = vector.shape_cast %get3A_401 : vector<1x1x16xf32> to vector<16xf32>
        %mul3A_403 = arith.constant 8.000000e+00 : f32
        %mul3A_404 = vector.broadcast %mul3A_403 : f32 to vector<16xf32>
        %mul3A_405 = arith.mulf %get3A_402, %mul3A_404 : vector<16xf32>
        %swap3A_406 = arith.constant 3 : i32
        %swap3A_407 = arith.index_cast %swap3A_406 : i32 to index
        %swap3A_408 = arith.index_cast %scan3A_294 : i32 to index
        %swap3A_409 = arith.constant 80 : index
        %swap3A_410 = tpu.vector_load %arg7[%swap3A_407, %swap3A_408, %swap3A_409] {strides = array<i32>} : memref<4x64x128xf32, #tpu.memory_space<vmem>>, vector<1x1x16xf32>,
        %swap3A_411 = vector.shape_cast %swap3A_410 : vector<1x1x16xf32> to vector<16xf32>
        %swap3A_412 = vector.shape_cast %mul3A_405 : vector<16xf32> to vector<1x1x16xf32>
        tpu.vector_store %arg7[%swap3A_407, %swap3A_408, %swap3A_409], %swap3A_412 {strides = array<i32>} : memref<4x64x128xf32, #tpu.memory_space<vmem>>, vector<1x1x16xf32>,
        %mul3A_413 = arith.constant 2 : i32
        %mul3A_414 = arith.muli %mul3A_413, %scan3A_294 : i32
        %add3A_415 = arith.constant 1 : i32
        %add3A_416 = arith.addi %mul3A_414, %add3A_415 : i32
        %get3A_417 = arith.constant 3 : i32
        %get3A_418 = arith.index_cast %get3A_417 : i32 to index
        %get3A_419 = arith.index_cast %add3A_416 : i32 to index
        %get3A_420 = arith.constant 32 : index
        %get3A_421 = tpu.vector_load %arg6[%get3A_418, %get3A_419, %get3A_420] {strides = array<i32>} : memref<4x128x64xf32, #tpu.memory_space<vmem>>, vector<1x1x16xf32>,
        %get3A_422 = vector.shape_cast %get3A_421 : vector<1x1x16xf32> to vector<16xf32>
        %mul3A_423 = arith.constant 8.000000e+00 : f32
        %mul3A_424 = vector.broadcast %mul3A_423 : f32 to vector<16xf32>
        %mul3A_425 = arith.mulf %get3A_422, %mul3A_424 : vector<16xf32>
        %swap3A_426 = arith.constant 3 : i32
        %swap3A_427 = arith.index_cast %swap3A_426 : i32 to index
        %swap3A_428 = arith.index_cast %scan3A_294 : i32 to index
        %swap3A_429 = arith.constant 96 : index
        %swap3A_430 = tpu.vector_load %arg7[%swap3A_427, %swap3A_428, %swap3A_429] {strides = array<i32>} : memref<4x64x128xf32, #tpu.memory_space<vmem>>, vector<1x1x16xf32>,
        %swap3A_431 = vector.shape_cast %swap3A_430 : vector<1x1x16xf32> to vector<16xf32>
        %swap3A_432 = vector.shape_cast %mul3A_425 : vector<16xf32> to vector<1x1x16xf32>
        tpu.vector_store %arg7[%swap3A_427, %swap3A_428, %swap3A_429], %swap3A_432 {strides = array<i32>} : memref<4x64x128xf32, #tpu.memory_space<vmem>>, vector<1x1x16xf32>,
        %mul3A_433 = arith.constant 2 : i32
        %mul3A_434 = arith.muli %mul3A_433, %scan3A_294 : i32
        %add3A_435 = arith.constant 1 : i32
        %add3A_436 = arith.addi %mul3A_434, %add3A_435 : i32
        %get3A_437 = arith.constant 3 : i32
        %get3A_438 = arith.index_cast %get3A_437 : i32 to index
        %get3A_439 = arith.index_cast %add3A_436 : i32 to index
        %get3A_440 = arith.constant 48 : index
        %get3A_441 = tpu.vector_load %arg6[%get3A_438, %get3A_439, %get3A_440] {strides = array<i32>} : memref<4x128x64xf32, #tpu.memory_space<vmem>>, vector<1x1x16xf32>,
        %get3A_442 = vector.shape_cast %get3A_441 : vector<1x1x16xf32> to vector<16xf32>
        %mul3A_443 = arith.constant 8.000000e+00 : f32
        %mul3A_444 = vector.broadcast %mul3A_443 : f32 to vector<16xf32>
        %mul3A_445 = arith.mulf %get3A_442, %mul3A_444 : vector<16xf32>
        %swap3A_446 = arith.constant 3 : i32
        %swap3A_447 = arith.index_cast %swap3A_446 : i32 to index
        %swap3A_448 = arith.index_cast %scan3A_294 : i32 to index
        %swap3A_449 = arith.constant 112 : index
        %swap3A_450 = tpu.vector_load %arg7[%swap3A_447, %swap3A_448, %swap3A_449] {strides = array<i32>} : memref<4x64x128xf32, #tpu.memory_space<vmem>>, vector<1x1x16xf32>,
        %swap3A_451 = vector.shape_cast %swap3A_450 : vector<1x1x16xf32> to vector<16xf32>
        %swap3A_452 = vector.shape_cast %mul3A_445 : vector<16xf32> to vector<1x1x16xf32>
        tpu.vector_store %arg7[%swap3A_447, %swap3A_448, %swap3A_449], %swap3A_452 {strides = array<i32>} : memref<4x64x128xf32, #tpu.memory_space<vmem>>, vector<1x1x16xf32>,
      }
      %scan3A_272 = arith.constant 64 : i32
      %lt3A_273 = arith.constant 49 : i32
      %lt3A_274 = arith.cmpi slt, %scan3A_113, %lt3A_273 : i32
      %convert_element_type3A_275 = arith.extui %lt3A_274 : i1 to i32
      %cond3A_276 = arith.constant 0 : i32
      %cond3A_277 = arith.cmpi ne, %convert_element_type3A_275, %cond3A_276 : i32
      scf.if %cond3A_277 {
        %add3A_294 = arith.constant 4 : i32
        %add3A_295 = arith.addi %add3A_251, %add3A_294 : i32
        %dma_start3A_296 = arith.constant 3 : i32
        %dma_start3A_297 = arith.constant 0 : i32
        %dma_start3A_298 = arith.constant 0 : i32
        %dma_start3A_299 = tpu.memref_slice %arg6[%dma_start3A_296, %dma_start3A_297, %dma_start3A_298] : memref<4x128x64xf32, #tpu.memory_space<vmem>> -> memref<1x128x64xf32, #tpu.memory_space<vmem>>
        %dma_start3A_300 = tpu.memref_squeeze %dma_start3A_299 : memref<1x128x64xf32, #tpu.memory_space<vmem>> -> memref<128x64xf32, #tpu.memory_space<vmem>>
        %dma_start3A_301 = arith.constant 0 : i32
        %dma_start3A_302 = tpu.memref_slice %arg5[%add3A_295, %dma_start3A_301] : memref<200x128xi32, #tpu.memory_space<vmem>> -> memref<1x128xi32, #tpu.memory_space<vmem>>
        %dma_start3A_303 = tpu.memref_squeeze %dma_start3A_302 : memref<1x128xi32, #tpu.memory_space<vmem>> -> memref<128xi32, #tpu.memory_space<vmem>>
        %dma_start3A_304 = arith.constant 0 : i32
        %dma_start3A_305 = arith.constant 0 : i32
        %dma_start3A_306 = tpu.memref_slice %arg2[%dma_start3A_304, %dma_start3A_305] : memref<1000000x64xf32, #tpu.memory_space<hbm>> -> memref<1000000x64xf32, #tpu.memory_space<hbm>>
        tpu.enqueue_indirect_dma source(%dma_start3A_306 : memref<1000000x64xf32, #tpu.memory_space<hbm>>) target(%dma_start3A_300 : memref<128x64xf32, #tpu.memory_space<vmem>>) offsets(%dma_start3A_303 : memref<128xi32, #tpu.memory_space<vmem>>) semaphore(%arg8 : memref<!tpu.dma_semaphore, #tpu.memory_space<semaphore_mem>>)
      } else {
      }
      %add3A_278 = arith.addi %mul3A_2, %add3A_251 : i32
      %mul3A_279 = arith.constant 64 : i32
      %mul3A_280 = arith.muli %add3A_278, %mul3A_279 : i32
      %dma_start3A_281 = arith.constant 3 : i32
      %dma_start3A_282 = arith.constant 0 : i32
      %dma_start3A_283 = arith.constant 0 : i32
      %dma_start3A_284 = tpu.memref_slice %arg7[%dma_start3A_281, %dma_start3A_282, %dma_start3A_283] : memref<4x64x128xf32, #tpu.memory_space<vmem>> -> memref<1x64x128xf32, #tpu.memory_space<vmem>>
      %dma_start3A_285 = tpu.memref_squeeze %dma_start3A_284 : memref<1x64x128xf32, #tpu.memory_space<vmem>> -> memref<64x128xf32, #tpu.memory_space<vmem>>
      %dma_start3A_286 = arith.constant 0 : i32
      %dma_start3A_287 = tpu.memref_slice %arg4[%mul3A_280, %dma_start3A_286] : memref<409600x128xf32, #tpu.memory_space<hbm>> -> memref<64x128xf32, #tpu.memory_space<hbm>>
      %dma_start3A_288 = arith.constant 0 : i32
      %dma_start3A_289 = tpu.memref_slice %arg4[%mul3A_280, %dma_start3A_288] : memref<409600x128xf32, #tpu.memory_space<hbm>> -> memref<64x128xf32, #tpu.memory_space<hbm>>
      %dma_start3A_290 = arith.constant 0 : i32
      %dma_start3A_291 = arith.constant 0 : i32
      %dma_start3A_292 = tpu.memref_slice %arg7[%dma_start3A_281, %dma_start3A_290, %dma_start3A_291] : memref<4x64x128xf32, #tpu.memory_space<vmem>> -> memref<1x64x128xf32, #tpu.memory_space<vmem>>
      %dma_start3A_293 = tpu.memref_squeeze %dma_start3A_292 : memref<1x64x128xf32, #tpu.memory_space<vmem>> -> memref<64x128xf32, #tpu.memory_space<vmem>>
      tpu.enqueue_dma source(%dma_start3A_293 : memref<64x128xf32, #tpu.memory_space<vmem>>) target(%dma_start3A_289 : memref<64x128xf32, #tpu.memory_space<hbm>>) target_semaphore(%arg9 : memref<!tpu.dma_semaphore, #tpu.memory_space<semaphore_mem>>)
    }
    %scan3A_53 = arith.constant 50 : i32
    %dma_wait3A = arith.constant 0 : i32
    %dma_wait3A_54 = arith.constant 0 : i32
    %dma_wait3A_55 = arith.constant 0 : i32
    %dma_wait3A_56 = tpu.memref_slice %arg7[%dma_wait3A, %dma_wait3A_54, %dma_wait3A_55] : memref<4x64x128xf32, #tpu.memory_space<vmem>> -> memref<1x64x128xf32, #tpu.memory_space<vmem>>
    %dma_wait3A_57 = tpu.memref_squeeze %dma_wait3A_56 : memref<1x64x128xf32, #tpu.memory_space<vmem>> -> memref<64x128xf32, #tpu.memory_space<vmem>>
    %dma_wait3A_58 = arith.constant 0 : i32
    %dma_wait3A_59 = arith.constant 0 : i32
    %dma_wait3A_60 = tpu.memref_slice %arg4[%dma_wait3A_58, %dma_wait3A_59] : memref<409600x128xf32, #tpu.memory_space<hbm>> -> memref<64x128xf32, #tpu.memory_space<hbm>>
    %dma_wait3A_61 = arith.constant 0 : i32
    %dma_wait3A_62 = arith.constant 0 : i32
    %dma_wait3A_63 = tpu.memref_slice %arg4[%dma_wait3A_61, %dma_wait3A_62] : memref<409600x128xf32, #tpu.memory_space<hbm>> -> memref<64x128xf32, #tpu.memory_space<hbm>>
    %dma_wait3A_64 = arith.constant 0 : i32
    %dma_wait3A_65 = arith.constant 0 : i32
    %dma_wait3A_66 = tpu.memref_slice %arg7[%dma_wait3A, %dma_wait3A_64, %dma_wait3A_65] : memref<4x64x128xf32, #tpu.memory_space<vmem>> -> memref<1x64x128xf32, #tpu.memory_space<vmem>>
    %dma_wait3A_67 = tpu.memref_squeeze %dma_wait3A_66 : memref<1x64x128xf32, #tpu.memory_space<vmem>> -> memref<64x128xf32, #tpu.memory_space<vmem>>
    tpu.wait_dma2 semaphore(%arg9 : memref<!tpu.dma_semaphore, #tpu.memory_space<semaphore_mem>>) src(%dma_wait3A_67 : memref<64x128xf32, #tpu.memory_space<vmem>>) dst(%dma_wait3A_63 : memref<64x128xf32, #tpu.memory_space<hbm>>)
    %dma_wait3A_68 = arith.constant 1 : i32
    %dma_wait3A_69 = arith.constant 0 : i32
    %dma_wait3A_70 = arith.constant 0 : i32
    %dma_wait3A_71 = tpu.memref_slice %arg7[%dma_wait3A_68, %dma_wait3A_69, %dma_wait3A_70] : memref<4x64x128xf32, #tpu.memory_space<vmem>> -> memref<1x64x128xf32, #tpu.memory_space<vmem>>
    %dma_wait3A_72 = tpu.memref_squeeze %dma_wait3A_71 : memref<1x64x128xf32, #tpu.memory_space<vmem>> -> memref<64x128xf32, #tpu.memory_space<vmem>>
    %dma_wait3A_73 = arith.constant 0 : i32
    %dma_wait3A_74 = arith.constant 0 : i32
    %dma_wait3A_75 = tpu.memref_slice %arg4[%dma_wait3A_73, %dma_wait3A_74] : memref<409600x128xf32, #tpu.memory_space<hbm>> -> memref<64x128xf32, #tpu.memory_space<hbm>>
    %dma_wait3A_76 = arith.constant 0 : i32
    %dma_wait3A_77 = arith.constant 0 : i32
    %dma_wait3A_78 = tpu.memref_slice %arg4[%dma_wait3A_76, %dma_wait3A_77] : memref<409600x128xf32, #tpu.memory_space<hbm>> -> memref<64x128xf32, #tpu.memory_space<hbm>>
    %dma_wait3A_79 = arith.constant 0 : i32
    %dma_wait3A_80 = arith.constant 0 : i32
    %dma_wait3A_81 = tpu.memref_slice %arg7[%dma_wait3A_68, %dma_wait3A_79, %dma_wait3A_80] : memref<4x64x128xf32, #tpu.memory_space<vmem>> -> memref<1x64x128xf32, #tpu.memory_space<vmem>>
    %dma_wait3A_82 = tpu.memref_squeeze %dma_wait3A_81 : memref<1x64x128xf32, #tpu.memory_space<vmem>> -> memref<64x128xf32, #tpu.memory_space<vmem>>
    tpu.wait_dma2 semaphore(%arg9 : memref<!tpu.dma_semaphore, #tpu.memory_space<semaphore_mem>>) src(%dma_wait3A_82 : memref<64x128xf32, #tpu.memory_space<vmem>>) dst(%dma_wait3A_78 : memref<64x128xf32, #tpu.memory_space<hbm>>)
    %dma_wait3A_83 = arith.constant 2 : i32
    %dma_wait3A_84 = arith.constant 0 : i32
    %dma_wait3A_85 = arith.constant 0 : i32
    %dma_wait3A_86 = tpu.memref_slice %arg7[%dma_wait3A_83, %dma_wait3A_84, %dma_wait3A_85] : memref<4x64x128xf32, #tpu.memory_space<vmem>> -> memref<1x64x128xf32, #tpu.memory_space<vmem>>
    %dma_wait3A_87 = tpu.memref_squeeze %dma_wait3A_86 : memref<1x64x128xf32, #tpu.memory_space<vmem>> -> memref<64x128xf32, #tpu.memory_space<vmem>>
    %dma_wait3A_88 = arith.constant 0 : i32
    %dma_wait3A_89 = arith.constant 0 : i32
    %dma_wait3A_90 = tpu.memref_slice %arg4[%dma_wait3A_88, %dma_wait3A_89] : memref<409600x128xf32, #tpu.memory_space<hbm>> -> memref<64x128xf32, #tpu.memory_space<hbm>>
    %dma_wait3A_91 = arith.constant 0 : i32
    %dma_wait3A_92 = arith.constant 0 : i32
    %dma_wait3A_93 = tpu.memref_slice %arg4[%dma_wait3A_91, %dma_wait3A_92] : memref<409600x128xf32, #tpu.memory_space<hbm>> -> memref<64x128xf32, #tpu.memory_space<hbm>>
    %dma_wait3A_94 = arith.constant 0 : i32
    %dma_wait3A_95 = arith.constant 0 : i32
    %dma_wait3A_96 = tpu.memref_slice %arg7[%dma_wait3A_83, %dma_wait3A_94, %dma_wait3A_95] : memref<4x64x128xf32, #tpu.memory_space<vmem>> -> memref<1x64x128xf32, #tpu.memory_space<vmem>>
    %dma_wait3A_97 = tpu.memref_squeeze %dma_wait3A_96 : memref<1x64x128xf32, #tpu.memory_space<vmem>> -> memref<64x128xf32, #tpu.memory_space<vmem>>
    tpu.wait_dma2 semaphore(%arg9 : memref<!tpu.dma_semaphore, #tpu.memory_space<semaphore_mem>>) src(%dma_wait3A_97 : memref<64x128xf32, #tpu.memory_space<vmem>>) dst(%dma_wait3A_93 : memref<64x128xf32, #tpu.memory_space<hbm>>)
    %dma_wait3A_98 = arith.constant 3 : i32
    %dma_wait3A_99 = arith.constant 0 : i32
    %dma_wait3A_100 = arith.constant 0 : i32
    %dma_wait3A_101 = tpu.memref_slice %arg7[%dma_wait3A_98, %dma_wait3A_99, %dma_wait3A_100] : memref<4x64x128xf32, #tpu.memory_space<vmem>> -> memref<1x64x128xf32, #tpu.memory_space<vmem>>
    %dma_wait3A_102 = tpu.memref_squeeze %dma_wait3A_101 : memref<1x64x128xf32, #tpu.memory_space<vmem>> -> memref<64x128xf32, #tpu.memory_space<vmem>>
    %dma_wait3A_103 = arith.constant 0 : i32
    %dma_wait3A_104 = arith.constant 0 : i32
    %dma_wait3A_105 = tpu.memref_slice %arg4[%dma_wait3A_103, %dma_wait3A_104] : memref<409600x128xf32, #tpu.memory_space<hbm>> -> memref<64x128xf32, #tpu.memory_space<hbm>>
    %dma_wait3A_106 = arith.constant 0 : i32
    %dma_wait3A_107 = arith.constant 0 : i32
    %dma_wait3A_108 = tpu.memref_slice %arg4[%dma_wait3A_106, %dma_wait3A_107] : memref<409600x128xf32, #tpu.memory_space<hbm>> -> memref<64x128xf32, #tpu.memory_space<hbm>>
    %dma_wait3A_109 = arith.constant 0 : i32
    %dma_wait3A_110 = arith.constant 0 : i32
    %dma_wait3A_111 = tpu.memref_slice %arg7[%dma_wait3A_98, %dma_wait3A_109, %dma_wait3A_110] : memref<4x64x128xf32, #tpu.memory_space<vmem>> -> memref<1x64x128xf32, #tpu.memory_space<vmem>>
    %dma_wait3A_112 = tpu.memref_squeeze %dma_wait3A_111 : memref<1x64x128xf32, #tpu.memory_space<vmem>> -> memref<64x128xf32, #tpu.memory_space<vmem>>
    tpu.wait_dma2 semaphore(%arg9 : memref<!tpu.dma_semaphore, #tpu.memory_space<semaphore_mem>>) src(%dma_wait3A_112 : memref<64x128xf32, #tpu.memory_space<vmem>>) dst(%dma_wait3A_108 : memref<64x128xf32, #tpu.memory_space<hbm>>)
    return
  }
}

</mosaic_0001>

<sc_bundles>
// kernel: kernel.3.cloned.1.call-start
scs
__scs_entry_jumppad:
0x0: {  	(pc) =	sbr.rel $0x88, $3  }
0x1: {  	(tag) =	ssettag $0x0;
	lr =	simm.s32 $0x1  }
0x2: {  	[smem:$0x3F9F] =	sst lr;
	_ =	strace $0xD0000000  }
0x3: {  	_ = 	snop  }
0x4: {  	_ = 	snop  }
0x5: {  	_ = 	snop  }
0x6: {  	_ = 	snop  }
0x7: {  	_ = 	snop  }
__scs_overlays_trampoline_lowered:
0x8: {  	[smem:$0x3FAE] =	sst s0  }
0x9: {  	[smem:$0x3FAF] =	sst s1  }
0xa: {  	[smem:$0x3FB0] =	sst s2  }
0xb: {  	[smem:$0x3FB1] =	sst s3  }
0xc: {  	[smem:$0x3FB2] =	sst s4  }
0xd: {  	[smem:$0x3FB3] =	sst s5  }
0xe: {  	[smem:$0x3FB4] =	sst s6  }
0xf: {  	[smem:$0x3FB5] =	sst s7  }
0x10: {  	[smem:$0x3FB6] =	sst s8  }
0x11: {  	[smem:$0x3FB7] =	sst s9;
	s0 =	simm.s32 @!p0 $0x0  }
0x12: {  	s1 =	sld [smem:$0x3F9D];
	s0 =	simm.s32 @p0 $0x1  }
0x13: {  	[smem:$0x3FB8] =	sst s0;
	s0 =	simm.s32 @!p1 $0x0  }
0x14: {  	s2 =	sld [smem:$0x3F9C];
	s0 =	simm.s32 @p1 $0x1  }
0x15: {  	[smem:$0x3FB9] =	sst s0;
	s0 =	simm.s32 @!p2 $0x0  }
0x16: {  	s3 =	sld [smem:$0x3FDB];
	s0 =	simm.s32 @p2 $0x1  }
0x17: {  	s4 =	simm.s32 $0x1BF5;
	[smem:$0x3FBB] =	sst s0  }
0x18: {  	s0 =	sld [smem:$0x3F9E];
	_ =	swait.ge [sflag:s4], $0x0  }
0x19: {  	s7 =	sld [smem:$0x3F9F]  }
0x1a: {  	s8 =	sadd.s32 $0xFFFFE003, lr  }
0x1b: {  	s9 =	sadd.s32 $0xFFFFFEF7, lr;
	s5 =	simm.s32 $0xFFFFFFFF;
	p2 =	slt.u32 s8, $0xFFFFF086  }
0x1c: {  	p1 =	slt.u32 s9, $0xF7A;
	s5 =	simm.s32 @!p2 $0x0  }
0x1d: {  	s5 =	simm.s32 @p1 $0x1;
	p0 =	seq.s32 s7, s2  }
0x1e: {  	s7 =	smul.u32 @!p0 $0xF7A, s2;
	p2 =	seq.s32 @!p0 s5, $0x0  }
0x1f: {  	s9 =	smul.u32 $0xF7A, s1;
	s8 =	simm.s32 @!p0 $0x1BF5;
	p2 =	por !p2, p0  }
0x20: {  	[sflag:s8] =	ssyncset.s32 @!p0 $0xFFFFF086;
	s6 =	sadd.s32 @!p0 s3, s7;
	s7 =	simm.s32 @!p0 $0x108  }
0x21: {  	s3 =	sadd.s32 s3, s9;
	s6 =	sadd.s32 @!p0 $0x88, s6;
	s7 =	simm.s32 @p2 $0x1082  }
0x22: {  	[simem:s7], [sflag:s8] =	dma.local @!p0 [hbm:s6], $0xF7A  }
0x23: {  	s9 =	sor.u32 $0xD0000000, s2;
	s6 =	simm.s32 $0x108;
	_ =	swait.ge @!p0 [sflag:s8], $0x0  }
0x24: {  	s3 =	sadd.s32 $0x88, s3;
	s6 =	simm.s32 @!p1 $0x1082;
	[sflag:s4] =	ssyncset.s32 $0xFFFFF086  }
0x25: {  	[simem:s6], [sflag:s4] =	dma.local [hbm:s3], $0xF7A  }
0x26: {  	[smem:$0x3F9F] =	sst s1;
	(tag) =	ssettag s2;
	_ =	strace s9  }
0x27: {  	s1 =	sld [smem:$0x3FAF]  }
0x28: {  	s2 =	sld [smem:$0x3FB0]  }
0x29: {  	s4 =	sld [smem:$0x3FB2]  }
0x2a: {  	p0 =	seq.s32 s5, $0x0;
	s5 =	sld [smem:$0x3FB3]  }
0x2b: {  	s6 =	sld [smem:$0x3FB4]  }
0x2c: {  	s7 =	sld [smem:$0x3FB5]  }
0x2d: {  	s3 =	simm.s32 $0x108;
	s8 =	sld [smem:$0x3FB6]  }
0x2e: {  	s3 =	simm.s32 @!p0 $0x1082;
	s9 =	sld [smem:$0x3FB7]  }
0x2f: {  	lr =	sadd.s32 s0, s3;
	s0 =	sld [smem:$0x3FAE]  }
0x30: {  	s3 =	sld [smem:$0x3FB1]  }
0x31: {  	[smem:$0x3FBA] =	sst s10  }
0x32: {  	s10 =	sld [smem:$0x3FB8];
	_ =	sdelay $0x3  }
0x33: {  	p0 =	seq.s32 s10, $0x1;
	s10 =	sld [smem:$0x3FBA];
	_ =	sdelay $0x3  }
0x34: {  	[smem:$0x3FBA] =	sst s10  }
0x35: {  	s10 =	sld [smem:$0x3FB9];
	_ =	sdelay $0x3  }
0x36: {  	p1 =	seq.s32 s10, $0x1;
	s10 =	sld [smem:$0x3FBA];
	_ =	sdelay $0x3  }
0x37: {  	[smem:$0x3FBA] =	sst s10  }
0x38: {  	s10 =	sld [smem:$0x3FBB]  }
0x39: {  	_ = 	snop;
	(pc) =	sbr.ind lr, $3  }
0x3a: {  	_ = 	snop  }
0x3b: {  	_ = 	snop  }
0x3c: {  	p2 =	seq.s32 s10, $0x1;
	s10 =	sld [smem:$0x3FBA]  }
0x3d: {  	_ =	shalt  }
0x3e: {  	_ =	shalt  }
0x3f: {  	_ =	shalt  }
0x40: {  	_ =	shalt  }
0x41: {  	_ =	shalt  }
0x42: {  	_ =	shalt  }
0x43: {  	_ =	shalt  }
0x44: {  	_ =	shalt  }
0x45: {  	_ =	shalt  }
0x46: {  	_ =	shalt  }
0x47: {  	_ =	shalt  }
0x48: {  	_ =	shalt  }
0x49: {  	_ =	shalt  }
0x4a: {  	_ =	shalt  }
0x4b: {  	_ =	shalt  }
0x4c: {  	_ =	shalt  }
0x4d: {  	_ =	shalt  }
0x4e: {  	_ =	shalt  }
0x4f: {  	_ =	shalt  }
0x50: {  	_ =	shalt  }
0x51: {  	_ =	shalt  }
0x52: {  	_ =	shalt  }
0x53: {  	_ =	shalt  }
0x54: {  	_ =	shalt  }
0x55: {  	_ =	shalt  }
0x56: {  	_ =	shalt  }
0x57: {  	_ =	shalt  }
0x58: {  	_ =	shalt  }
0x59: {  	_ =	shalt  }
0x5a: {  	_ =	shalt  }
0x5b: {  	_ =	shalt  }
0x5c: {  	_ =	shalt  }
0x5d: {  	_ =	shalt  }
0x5e: {  	_ =	shalt  }
0x5f: {  	_ =	shalt  }
0x60: {  	_ =	shalt  }
0x61: {  	_ =	shalt  }
0x62: {  	_ =	shalt  }
0x63: {  	_ =	shalt  }
0x64: {  	_ =	shalt  }
0x65: {  	_ =	shalt  }
0x66: {  	_ =	shalt  }
0x67: {  	_ =	shalt  }
0x68: {  	_ =	shalt  }
0x69: {  	_ =	shalt  }
0x6a: {  	_ =	shalt  }
0x6b: {  	_ =	shalt  }
0x6c: {  	_ =	shalt  }
0x6d: {  	_ =	shalt  }
0x6e: {  	_ =	shalt  }
0x6f: {  	_ =	shalt  }
0x70: {  	_ =	shalt  }
0x71: {  	_ =	shalt  }
0x72: {  	_ =	shalt  }
0x73: {  	_ =	shalt  }
0x74: {  	_ =	shalt  }
0x75: {  	_ =	shalt  }
0x76: {  	_ =	shalt  }
0x77: {  	_ =	shalt  }
0x78: {  	_ =	shalt  }
0x79: {  	_ =	shalt  }
0x7a: {  	_ =	shalt  }
0x7b: {  	_ =	shalt  }
0x7c: {  	_ =	shalt  }
0x7d: {  	_ =	shalt  }
0x7e: {  	_ =	shalt  }
0x7f: {  	_ =	shalt  }
0x80: {  	_ =	shalt  }
0x81: {  	_ =	shalt  }
0x82: {  	_ =	shalt  }
0x83: {  	_ =	shalt  }
0x84: {  	_ =	shalt  }
0x85: {  	_ =	shalt  }
0x86: {  	_ =	shalt  }
0x87: {  	_ =	shalt  }
.Lfunc_end0:
.L_simem_size_0:
called_computation.1_lowered:
.L_overlay_start_0:
0x88: {  	s2 =	sld [smem:$0x3FD9]  }
0x89: {  	s3 =	sld [smem:$0x3FFE];
	_ =	sdelay $0x1  }
0x8a: {  	s1 =	srdreg.scid  }
0x8b: {  	s0 =	sand.u32 $0x1, s1  }
0x8c: {  	s17 =	sshll.u32 s0, $0xA;
	s2 =	sadd.s32 s3, s2  }
0x8d: {  	s2 =	sadd.s32 s2, s17  }
0x8e: {  	[smem:$0x3FC6] =	sst s2  }
0x8f: {  	_ = 	snop  }
0x90: {  	s2 =	sld [smem:$0x3FD0];
	(tm) =	ssettm $0x1  }
0x91: {  	s18 =	sld [smem:$0x3FFB];
	_ =	sdelay $0x3  }
0x92: {  	_ =	strace s18  }
0x93: {  	s3 =	sld [smem:$0x3FFC];
	_ =	sdelay $0x3  }
0x94: {  	_ =	strace s3  }
0x95: {  	s3 =	sld [smem:$0x3FFD];
	_ =	sdelay $0x3  }
0x96: {  	_ =	strace s3  }
0x97: {  	_ =	strace $0x8FFFFFFF  }
0x98: {  	s19 =	sld [smem:$0x3FDB];
	_ =	sdelay $0x1  }
0x99: {  	s4 =	simm.s32 $_scs_section_size  }
0x9a: {  	s5 =	simm.s32 $_size__tile_overlayer_lowered;
	s6 =	simm.s32 $_tile_overlayer_lowered  }
0x9b: {  	s22 =	simm.s32 $0x1BFF;
	s21 =	sshll.u32 s6, $0x1;
	s3 =	sadd.s32 s4, s19  }
0x9c: {  	s7 =	simm.s32 $0x0;
	s20 =	sshll.u32 s5, $0x1;
	s5 =	sadd.s32 s21, s3  }
0x9d: {  	[timem:s7], [sflag:s22] =	dma.local [hbm:s5], s20  }
0x9e: {  	_ =	swait.ge [sflag:s22], s20  }
0x9f: {  	s4 =	ssub.s32 $0x0, s20;
	[sflag:s22] =	ssyncset.done $0x0  }
0xa0: {  	[sflag:s22] =	ssyncadd.s32 s4;
	_ =	sdelay $0x1  }
0xa1: {  	s23 =	simm.s32 $0x1B8B  }
0xa2: {  	_ =	swait.ge [sflag:s23], $0x1  }
0xa3: {  	[sflag:s23] =	ssyncset.done $0x0  }
0xa4: {  	s25 =	simm.s32 $0x1B8E;
	s24 =	sld [smem:$0x3FFE];
	[sflag:s23] =	ssyncadd.s32 $0xFFFFFFFF  }
0xa5: {  	s26 =	simm.s32 $execute0_lowered;
	[smem:$0x3FD2] =	sst s25  }
0xa6: {  	s5 =	sshll.u32 s26, $0x1;
	_ =	strace $0x80000046;
	[dreg:$0x1] =	wrdreg $0xFFFFFFFF  }
0xa7: {  	s28 =	simm.s32 $_size_execute0_lowered;
	s3 =	sadd.s32 s3, s5;
	[dreg:$0x0] =	wrdreg $0x0  }
0xa8: {  	s5 =	sshll.u32 s28, $0x1;
	[dreg:$0x2] =	wrdreg s3  }
0xa9: {  	[dreg:$0x3] =	wrdreg s5  }
0xaa: {  	[dreg:$0x4] =	wrdreg $0xC0  }
0xab: {  	_ =	task [dreg:s7], $0x5FFFF  }
0xac: {  	[dreg:$0x1] =	wrdreg $0xFFFFFFFF  }
0xad: {  	[dreg:$0x0] =	wrdreg $0x60  }
0xae: {  	[dreg:$0x2] =	wrdreg s24  }
0xaf: {  	[dreg:$0x3] =	wrdreg s2  }
0xb0: {  	[dreg:$0x4] =	wrdreg $0x9  }
0xb1: {  	_ =	task.clear_ibuf [dreg:s7], $0x5FFFF;
	_ =	strace $0x90000046  }
0xb2: {  	s29 =	simm.s32 $0x9;
	_ =	strace $0x80000048  }
0xb3: {  	_ =	swait.ge [sflag:s29], $0x1  }
0xb4: {  	[sflag:s29] =	ssyncadd.s32 $0xFFFFFFFF  }
0xb5: {  	_ =	strace $0x90000048  }
0xb6: {  	_ =	sfence  }
0xb7: {  	s30 =	sld [smem:$0x0];
	_ =	sdelay $0x2  }
0xb8: {  	s31 =	sshll.u32 s1, $0xD;
	s1 =	sshrl.u32 s1, $0x2  }
0xb9: {  	s3 =	sand.u32 $0x4000, s31;
	s1 =	sadd.s32 s1, s30  }
0xba: {  	s0 =	sor.u32 s3, s0;
	s1 =	sshll.u32 s1, $0x11  }
0xbb: {  	s0 =	sor.u32 s1, s0  }
0xbc: {  	s0 =	sadd.s32 $0x8F2B, s0  }
0xbd: {  	[sflag:s0] =	ssyncadd.remote.s32 $0x1  }
0xbe: {  	_ =	sfence.sel $0xFFFF  }
0xbf: {  	[dreg:$0x0] =	wrdreg $0xFFFFFFFF;
	(pc) =	sbr.abs _section_cstart, $3  }
0xc0: {  	[dreg:$0x1] =	wrdreg $0xFFFFFFFF  }
0xc1: {  	_ =	task.clear_ibuf [dreg:s7], $0x2FFFF;
	_ =	strace $0x9FFFFFFF  }
0xc2: {  	(tm) =	ssettm $0x7FFFFFFF  }
0xc3: {  	_ =	shalt  }
tec
execute0_lowered:
.L_overlay_start_1:
0x0: {  	(tag) =	ssettag $0x1  }
0x1: {  	s1 =	rddreg [dreg:$0x0];
	s3 =	srdreg.scid  }
0x2: {  	s0 =	stileid.u32;
	s2 =	rddreg [dreg:$0x1]  }
0x3: {  	s11 =	simm.s32 $0x3;
	s12 =	simm.s32 $0x80;
	s13 =	simm.s32 $0x6400  }
0x4: {  	s14 =	simm.s32 $0x8400;
	s15 =	simm.s32 $0x100;
	s16 =	simm.s32 $0xA400  }
0x5: {  	s17 =	simm.s32 $0x180;
	s18 =	simm.s32 $0xC400;
	s19 =	simm.s32 $0x1  }
0x6: {  	s20 =	simm.s32 $0xE400;
	s21 =	simm.s32 $0x10400;
	s22 =	simm.s32 $0x12400  }
0x7: {  	s23 =	simm.s32 $0x14400;
	s4 =	sand.u32 $0x1, s3;
	s5 =	sshll.u32 s0, $0x1  }
0x8: {  	s24 =	simm.s32 $0x2;
	s25 =	simm.s32 $0x0;
	s5 =	sor.u32 s4, s5  }
0x9: {  	s3 =	simm.s32 $0x0;
	s7 =	ssub.s32 $0x2, s4;
	s6 =	smul.u32 $0xC80, s5  }
0xa: {  	[smem:$0x7FF] =	sst s3;
	s4 =	smul.u32 $0xC8, s5;
	s31 =	sshrl.u32 s7, $0x1  }
0xb: {  	_ =	strace $0x80000047;
	s5 =	sadd.s32 $0xF42E00, s1;
	s10 =	ssub.s32 s7, s31  }
0xc: {  	s1 =	sadd.s32 s6, s1;
	s7 =	sor.u32 $0x1, s4;
	s8 =	sor.u32 $0x2, s4  }
0xd: {  	s9 =	sor.u32 $0x3, s4;
	s10 =	smax.u32 s10, $0x1;
	s6 =	sadd.s32 $0xA00, s1  }
.LBB2_1:
0xe: {  	[tilespmem:s3], [sflag:$0x3] =	stream.linear.gather [hbm4b:s6+s3], $0x6400, $0x38;
	[tilespmem:$0x16400] =	vst v63  }
0xf: {  	_ =	swait.ge [sflag:s11], $0x6400  }
0x10: {  	[sflag:s11] =	ssyncset.done $0x0  }
0x11: {  	[sflag:s11] =	ssyncadd.s32 $0xFFFF9C00  }
0x12: {  	[tilespmem:s13], [sflag:$0x1] =	stream.indirect.gather [hbm4b:s5+s12], $0x40, s3, s12, $0xb8;
	[tilespmem:$0x16400] =	vst v63  }
0x13: {  	_ = 	snop  }
0x14: {  	[tilespmem:s14], [sflag:$0x1] =	stream.indirect.gather [hbm4b:s5+s12], $0x40, s12, s12, $0xb8;
	[tilespmem:$0x16400] =	vst v63  }
0x15: {  	_ = 	snop  }
0x16: {  	[tilespmem:s16], [sflag:$0x1] =	stream.indirect.gather [hbm4b:s5+s12], $0x40, s15, s12, $0xb8;
	[tilespmem:$0x16400] =	vst v63  }
0x17: {  	s26 =	simm.s32 $0x0  }
0x18: {  	[tilespmem:s18], [sflag:$0x1] =	stream.indirect.gather [hbm4b:s5+s12], $0x40, s17, s12, $0xb8;
	[tilespmem:$0x16400] =	vst v63  }
.LBB2_2:
0x19: {  	_ =	swait.ge [sflag:s19], $0x2000  }
0x1a: {  	p1 =	seq.s32 s26, $0x0;
	[sflag:s19] =	ssyncset.done $0x0  }
0x1b: {  	s1 =	simm.s32 @!p1 $0x2;
	[sflag:s19] =	ssyncadd.s32 $0xFFFFE000  }
0x1c: {  	_ =	swait.ge @!p1 [sflag:s1], $0x2000  }
0x1d: {  	[sflag:s1] =	ssyncset.done @!p1 $0x0  }
0x1e: {  	s29 =	simm.s32 $0x0;
	[sflag:s1] =	ssyncadd.s32 @!p1 $0xFFFFE000  }
0x1f: {  	v1 =	vld [tilespmem:s29+$0x6470]  }
0x20: {  	v5 =	vld [tilespmem:s29+$0x6400]  }
0x21: {  	v6 =	vld [tilespmem:s29+$0x6410]  }
0x22: {  	v4 =	vld [tilespmem:s29+$0x6420]  }
0x23: {  	v3 =	vld [tilespmem:s29+$0x6430]  }
0x24: {  	v0 =	vld [tilespmem:s29+$0x6440];
	v7 =	vmul.f32 $8.000000000e+00, v1  }
0x25: {  	v1 =	vld [tilespmem:s29+$0x6450];
	v5 =	vmul.f32 $8.000000000e+00, v5  }
0x26: {  	s28 =	sshll.u32 s26, $0x2;
	s30 =	simm.s32 $0x80;
	s31 =	simm.s32 $0x400;
	v2 =	vld [tilespmem:s29+$0x6460];
	v6 =	vmul.f32 $8.000000000e+00, v6;
	[tilespmem:s29+$0xE470] =	vst v7  }
.LBB2_3:
0x27: {  	p0 =	sne.s32 s31, $0x7E00;
	v7 =	vld [tilespmem:s30+$0x6470];
	[tilespmem:s29+$0xE400] =	vst v5;
	v4 =	vmul.f32 $8.000000000e+00, v4  }
0x28: {  	v5 =	vld [tilespmem:s30+$0x6400];
	[tilespmem:s29+$0xE410] =	vst v6;
	v3 =	vmul.f32 $8.000000000e+00, v3  }
0x29: {  	v6 =	vld [tilespmem:s30+$0x6410];
	[tilespmem:s29+$0xE420] =	vst v4;
	v0 =	vmul.f32 $8.000000000e+00, v0  }
.Ltmp0:
0x2a: {  	v4 =	vld [tilespmem:s30+$0x6420];
	[tilespmem:s29+$0xE430] =	vst v3;
	v1 =	vmul.f32 $8.000000000e+00, v1;
	(pc) =	sbr.rel @p0 .LBB2_3-.Ltmp0, $4  }
0x2b: {  	v3 =	vld [tilespmem:s30+$0x6430];
	[tilespmem:s29+$0xE440] =	vst v0;
	v2 =	vmul.f32 $8.000000000e+00, v2  }
0x2c: {  	v0 =	vld [tilespmem:s30+$0x6440];
	v7 =	vmul.f32 $8.000000000e+00, v7;
	[tilespmem:s29+$0xE450] =	vst v1  }
0x2d: {  	v5 =	vmul.f32 $8.000000000e+00, v5;
	v1 =	vld [tilespmem:s30+$0x6450];
	[tilespmem:s29+$0xE460] =	vst v2;
	s29 =	smov.u32 s30  }
0x2e: {  	s30 =	sshra.s32 s31, $0x2;
	s31 =	sadd.s32 $0x200, s31;
	v6 =	vmul.f32 $8.000000000e+00, v6;
	v2 =	vld [tilespmem:s29+$0x6460];
	[tilespmem:s29+$0xE470] =	vst v7  }
0x2f: {  	v7 =	vld [tilespmem:s30+$0x6470];
	[tilespmem:s29+$0xE400] =	vst v5;
	v4 =	vmul.f32 $8.000000000e+00, v4  }
0x30: {  	v5 =	vld [tilespmem:s30+$0x6400];
	[tilespmem:s29+$0xE410] =	vst v6;
	v3 =	vmul.f32 $8.000000000e+00, v3  }
0x31: {  	v6 =	vld [tilespmem:s30+$0x6410];
	[tilespmem:s29+$0xE420] =	vst v4;
	v0 =	vmul.f32 $8.000000000e+00, v0  }
0x32: {  	v4 =	vld [tilespmem:s30+$0x6420];
	[tilespmem:s29+$0xE430] =	vst v3;
	v1 =	vmul.f32 $8.000000000e+00, v1  }
0x33: {  	v3 =	vld [tilespmem:s30+$0x6430];
	[tilespmem:s29+$0xE440] =	vst v0;
	v2 =	vmul.f32 $8.000000000e+00, v2  }
0x34: {  	v0 =	vld [tilespmem:s30+$0x6440];
	[tilespmem:s29+$0xE450] =	vst v1;
	v7 =	vmul.f32 $8.000000000e+00, v7  }
0x35: {  	v1 =	vld [tilespmem:s30+$0x6450];
	[tilespmem:s29+$0xE460] =	vst v2;
	v2 =	vmul.f32 $8.000000000e+00, v5  }
0x36: {  	v5 =	vld [tilespmem:s30+$0x6460];
	v6 =	vmul.f32 $8.000000000e+00, v6;
	[tilespmem:s30+$0xE470] =	vst v7  }
0x37: {  	[tilespmem:s30+$0xE400] =	vst v2;
	v2 =	vmul.f32 $8.000000000e+00, v4  }
0x38: {  	[tilespmem:s30+$0xE410] =	vst v6;
	v3 =	vmul.f32 $8.000000000e+00, v3  }
0x39: {  	[tilespmem:s30+$0xE420] =	vst v2;
	v0 =	vmul.f32 $8.000000000e+00, v0  }
0x3a: {  	p0 =	seq.s32 s26, $0x31;
	[tilespmem:s30+$0xE430] =	vst v3;
	v1 =	vmul.f32 $8.000000000e+00, v1  }
0x3b: {  	s1 =	sshll.u32 @!p0 s26, $0x9;
	[tilespmem:s30+$0xE440] =	vst v0;
	v0 =	vmul.f32 $8.000000000e+00, v5  }
0x3c: {  	s29 =	sand.u32 @!p0 $0x3FFFFE00, s1;
	[tilespmem:s30+$0xE450] =	vst v1  }
0x3d: {  	s31 =	simm.s32 @!p0 $0x6400;
	s1 =	sadd.s32 @!p0 $0x200, s29;
	[tilespmem:s30+$0xE460] =	vst v0;
	s30 =	simm.s32 @!p0 $0x80  }
0x3e: {  	[tilespmem:s31], [sflag:$0x1] =	stream.indirect.gather @!p0 [hbm4b:s5+s30], $0x40, s1, s30, $0xb8;
	[tilespmem:$0x16400] =	vst v63  }
0x3f: {  	s1 =	sadd.s32 s4, s28  }
0x40: {  	s1 =	sshll.u32 s1, $0xA  }
0x41: {  	s1 =	sadd.s32 s2, s1  }
0x42: {  	[hbm4b:s1+s3] =	stream.linear.scatter [tilespmem:s20], [sflag:$0x2], $0x2000, $0x38;
	[tilespmem:$0x16400] =	vst v63  }
0x43: {  	_ =	swait.ge [sflag:s19], $0x2000  }
0x44: {  	[sflag:s19] =	ssyncset.done $0x0  }
0x45: {  	s1 =	simm.s32 @!p1 $0x2;
	[sflag:s19] =	ssyncadd.s32 $0xFFFFE000  }
0x46: {  	_ =	swait.ge @!p1 [sflag:s1], $0x2000  }
0x47: {  	[sflag:s1] =	ssyncset.done @!p1 $0x0  }
0x48: {  	s31 =	simm.s32 $0x0;
	[sflag:s1] =	ssyncadd.s32 @!p1 $0xFFFFE000  }
0x49: {  	v1 =	vld [tilespmem:s31+$0x8470]  }
0x4a: {  	v5 =	vld [tilespmem:s31+$0x8400]  }
0x4b: {  	v6 =	vld [tilespmem:s31+$0x8410]  }
0x4c: {  	v4 =	vld [tilespmem:s31+$0x8420]  }
0x4d: {  	v3 =	vld [tilespmem:s31+$0x8430]  }
0x4e: {  	v0 =	vld [tilespmem:s31+$0x8440];
	v7 =	vmul.f32 $8.000000000e+00, v1  }
0x4f: {  	v1 =	vld [tilespmem:s31+$0x8450];
	v5 =	vmul.f32 $8.000000000e+00, v5  }
0x50: {  	s30 =	simm.s32 $0x80;
	s1 =	simm.s32 $0x400;
	v2 =	vld [tilespmem:s31+$0x8460];
	v6 =	vmul.f32 $8.000000000e+00, v6;
	[tilespmem:s31+$0x10470] =	vst v7  }
.LBB2_5:
0x51: {  	p2 =	sne.s32 s1, $0x7E00;
	v7 =	vld [tilespmem:s30+$0x8470];
	[tilespmem:s31+$0x10400] =	vst v5;
	v4 =	vmul.f32 $8.000000000e+00, v4  }
0x52: {  	v5 =	vld [tilespmem:s30+$0x8400];
	[tilespmem:s31+$0x10410] =	vst v6;
	v3 =	vmul.f32 $8.000000000e+00, v3  }
0x53: {  	v6 =	vld [tilespmem:s30+$0x8410];
	[tilespmem:s31+$0x10420] =	vst v4;
	v0 =	vmul.f32 $8.000000000e+00, v0  }
.Ltmp1:
0x54: {  	v4 =	vld [tilespmem:s30+$0x8420];
	[tilespmem:s31+$0x10430] =	vst v3;
	v1 =	vmul.f32 $8.000000000e+00, v1;
	(pc) =	sbr.rel @p2 .LBB2_5-.Ltmp1, $4  }
0x55: {  	v3 =	vld [tilespmem:s30+$0x8430];
	[tilespmem:s31+$0x10440] =	vst v0;
	v2 =	vmul.f32 $8.000000000e+00, v2  }
0x56: {  	v0 =	vld [tilespmem:s30+$0x8440];
	v7 =	vmul.f32 $8.000000000e+00, v7;
	[tilespmem:s31+$0x10450] =	vst v1  }
0x57: {  	v5 =	vmul.f32 $8.000000000e+00, v5;
	v1 =	vld [tilespmem:s30+$0x8450];
	[tilespmem:s31+$0x10460] =	vst v2;
	s31 =	smov.u32 s30  }
0x58: {  	s30 =	sshra.s32 s1, $0x2;
	s1 =	sadd.s32 $0x200, s1;
	v6 =	vmul.f32 $8.000000000e+00, v6;
	v2 =	vld [tilespmem:s31+$0x8460];
	[tilespmem:s31+$0x10470] =	vst v7  }
0x59: {  	v7 =	vld [tilespmem:s30+$0x8470];
	[tilespmem:s31+$0x10400] =	vst v5;
	v4 =	vmul.f32 $8.000000000e+00, v4  }
0x5a: {  	v5 =	vld [tilespmem:s30+$0x8400];
	[tilespmem:s31+$0x10410] =	vst v6;
	v3 =	vmul.f32 $8.000000000e+00, v3  }
0x5b: {  	v6 =	vld [tilespmem:s30+$0x8410];
	[tilespmem:s31+$0x10420] =	vst v4;
	v0 =	vmul.f32 $8.000000000e+00, v0  }
0x5c: {  	v4 =	vld [tilespmem:s30+$0x8420];
	[tilespmem:s31+$0x10430] =	vst v3;
	v1 =	vmul.f32 $8.000000000e+00, v1  }
0x5d: {  	v3 =	vld [tilespmem:s30+$0x8430];
	[tilespmem:s31+$0x10440] =	vst v0;
	v2 =	vmul.f32 $8.000000000e+00, v2  }
0x5e: {  	v0 =	vld [tilespmem:s30+$0x8440];
	[tilespmem:s31+$0x10450] =	vst v1;
	v7 =	vmul.f32 $8.000000000e+00, v7  }
0x5f: {  	v1 =	vld [tilespmem:s30+$0x8450];
	[tilespmem:s31+$0x10460] =	vst v2;
	v2 =	vmul.f32 $8.000000000e+00, v5  }
0x60: {  	v5 =	vld [tilespmem:s30+$0x8460];
	v6 =	vmul.f32 $8.000000000e+00, v6;
	[tilespmem:s30+$0x10470] =	vst v7  }
0x61: {  	[tilespmem:s30+$0x10400] =	vst v2;
	v2 =	vmul.f32 $8.000000000e+00, v4  }
0x62: {  	[tilespmem:s30+$0x10410] =	vst v6;
	v3 =	vmul.f32 $8.000000000e+00, v3  }
0x63: {  	[tilespmem:s30+$0x10420] =	vst v2;
	v0 =	vmul.f32 $8.000000000e+00, v0  }
0x64: {  	[tilespmem:s30+$0x10430] =	vst v3;
	v1 =	vmul.f32 $8.000000000e+00, v1  }
0x65: {  	[tilespmem:s30+$0x10440] =	vst v0;
	v0 =	vmul.f32 $8.000000000e+00, v5  }
0x66: {  	[tilespmem:s30+$0x10450] =	vst v1  }
0x67: {  	s1 =	sadd.s32 @!p0 $0x280, s29;
	s31 =	simm.s32 @!p0 $0x8400;
	[tilespmem:s30+$0x10460] =	vst v0;
	s30 =	simm.s32 @!p0 $0x80  }
0x68: {  	[tilespmem:s31], [sflag:$0x1] =	stream.indirect.gather @!p0 [hbm4b:s5+s30], $0x40, s1, s30, $0xb8;
	[tilespmem:$0x16400] =	vst v63  }
0x69: {  	s1 =	sadd.s32 s28, s7  }
0x6a: {  	s1 =	sshll.u32 s1, $0xA  }
0x6b: {  	s1 =	sand.u32 $0x1FFFF400, s1  }
0x6c: {  	s1 =	sadd.s32 s2, s1  }
0x6d: {  	[hbm4b:s1+s3] =	stream.linear.scatter [tilespmem:s21], [sflag:$0x2], $0x2000, $0x38;
	[tilespmem:$0x16400] =	vst v63  }
0x6e: {  	_ =	swait.ge [sflag:s19], $0x2000  }
0x6f: {  	[sflag:s19] =	ssyncset.done $0x0  }
0x70: {  	s1 =	simm.s32 @!p1 $0x2;
	[sflag:s19] =	ssyncadd.s32 $0xFFFFE000  }
0x71: {  	_ =	swait.ge @!p1 [sflag:s1], $0x2000  }
0x72: {  	[sflag:s1] =	ssyncset.done @!p1 $0x0  }
0x73: {  	s31 =	simm.s32 $0x0;
	[sflag:s1] =	ssyncadd.s32 @!p1 $0xFFFFE000  }
0x74: {  	v1 =	vld [tilespmem:s31+$0xA470]  }
0x75: {  	v5 =	vld [tilespmem:s31+$0xA400]  }
0x76: {  	v6 =	vld [tilespmem:s31+$0xA410]  }
0x77: {  	v4 =	vld [tilespmem:s31+$0xA420]  }
0x78: {  	v3 =	vld [tilespmem:s31+$0xA430]  }
0x79: {  	v0 =	vld [tilespmem:s31+$0xA440];
	v7 =	vmul.f32 $8.000000000e+00, v1  }
0x7a: {  	v1 =	vld [tilespmem:s31+$0xA450];
	v5 =	vmul.f32 $8.000000000e+00, v5  }
0x7b: {  	s30 =	simm.s32 $0x80;
	s1 =	simm.s32 $0x400;
	v2 =	vld [tilespmem:s31+$0xA460];
	v6 =	vmul.f32 $8.000000000e+00, v6;
	[tilespmem:s31+$0x12470] =	vst v7  }
.LBB2_7:
0x7c: {  	p2 =	sne.s32 s1, $0x7E00;
	v7 =	vld [tilespmem:s30+$0xA470];
	[tilespmem:s31+$0x12400] =	vst v5;
	v4 =	vmul.f32 $8.000000000e+00, v4  }
0x7d: {  	v5 =	vld [tilespmem:s30+$0xA400];
	[tilespmem:s31+$0x12410] =	vst v6;
	v3 =	vmul.f32 $8.000000000e+00, v3  }
0x7e: {  	v6 =	vld [tilespmem:s30+$0xA410];
	[tilespmem:s31+$0x12420] =	vst v4;
	v0 =	vmul.f32 $8.000000000e+00, v0  }
.Ltmp2:
0x7f: {  	v4 =	vld [tilespmem:s30+$0xA420];
	[tilespmem:s31+$0x12430] =	vst v3;
	v1 =	vmul.f32 $8.000000000e+00, v1;
	(pc) =	sbr.rel @p2 .LBB2_7-.Ltmp2, $4  }
0x80: {  	v3 =	vld [tilespmem:s30+$0xA430];
	[tilespmem:s31+$0x12440] =	vst v0;
	v2 =	vmul.f32 $8.000000000e+00, v2  }
0x81: {  	v0 =	vld [tilespmem:s30+$0xA440];
	v7 =	vmul.f32 $8.000000000e+00, v7;
	[tilespmem:s31+$0x12450] =	vst v1  }
0x82: {  	v5 =	vmul.f32 $8.000000000e+00, v5;
	v1 =	vld [tilespmem:s30+$0xA450];
	[tilespmem:s31+$0x12460] =	vst v2;
	s31 =	smov.u32 s30  }
0x83: {  	s30 =	sshra.s32 s1, $0x2;
	s1 =	sadd.s32 $0x200, s1;
	v6 =	vmul.f32 $8.000000000e+00, v6;
	v2 =	vld [tilespmem:s31+$0xA460];
	[tilespmem:s31+$0x12470] =	vst v7  }
0x84: {  	v7 =	vld [tilespmem:s30+$0xA470];
	[tilespmem:s31+$0x12400] =	vst v5;
	v4 =	vmul.f32 $8.000000000e+00, v4  }
0x85: {  	v5 =	vld [tilespmem:s30+$0xA400];
	[tilespmem:s31+$0x12410] =	vst v6;
	v3 =	vmul.f32 $8.000000000e+00, v3  }
0x86: {  	v6 =	vld [tilespmem:s30+$0xA410];
	[tilespmem:s31+$0x12420] =	vst v4;
	v0 =	vmul.f32 $8.000000000e+00, v0  }
0x87: {  	v4 =	vld [tilespmem:s30+$0xA420];
	[tilespmem:s31+$0x12430] =	vst v3;
	v1 =	vmul.f32 $8.000000000e+00, v1  }
0x88: {  	v3 =	vld [tilespmem:s30+$0xA430];
	[tilespmem:s31+$0x12440] =	vst v0;
	v2 =	vmul.f32 $8.000000000e+00, v2  }
0x89: {  	v0 =	vld [tilespmem:s30+$0xA440];
	[tilespmem:s31+$0x12450] =	vst v1;
	v7 =	vmul.f32 $8.000000000e+00, v7  }
0x8a: {  	v1 =	vld [tilespmem:s30+$0xA450];
	[tilespmem:s31+$0x12460] =	vst v2;
	v2 =	vmul.f32 $8.000000000e+00, v5  }
0x8b: {  	v5 =	vld [tilespmem:s30+$0xA460];
	v6 =	vmul.f32 $8.000000000e+00, v6;
	[tilespmem:s30+$0x12470] =	vst v7  }
0x8c: {  	[tilespmem:s30+$0x12400] =	vst v2;
	v2 =	vmul.f32 $8.000000000e+00, v4  }
0x8d: {  	[tilespmem:s30+$0x12410] =	vst v6;
	v3 =	vmul.f32 $8.000000000e+00, v3  }
0x8e: {  	[tilespmem:s30+$0x12420] =	vst v2;
	v0 =	vmul.f32 $8.000000000e+00, v0  }
0x8f: {  	[tilespmem:s30+$0x12430] =	vst v3;
	v1 =	vmul.f32 $8.000000000e+00, v1  }
0x90: {  	[tilespmem:s30+$0x12440] =	vst v0;
	v0 =	vmul.f32 $8.000000000e+00, v5  }
0x91: {  	[tilespmem:s30+$0x12450] =	vst v1  }
0x92: {  	s1 =	sadd.s32 @!p0 $0x300, s29;
	s31 =	simm.s32 @!p0 $0xA400;
	[tilespmem:s30+$0x12460] =	vst v0;
	s30 =	simm.s32 @!p0 $0x80  }
0x93: {  	[tilespmem:s31], [sflag:$0x1] =	stream.indirect.gather @!p0 [hbm4b:s5+s30], $0x40, s1, s30, $0xb8;
	[tilespmem:$0x16400] =	vst v63  }
0x94: {  	s1 =	sadd.s32 s28, s8  }
0x95: {  	s1 =	sshll.u32 s1, $0xA  }
0x96: {  	s1 =	sand.u32 $0x1FFFF800, s1  }
0x97: {  	s1 =	sadd.s32 s2, s1  }
0x98: {  	[hbm4b:s1+s3] =	stream.linear.scatter [tilespmem:s22], [sflag:$0x2], $0x2000, $0x38;
	[tilespmem:$0x16400] =	vst v63  }
0x99: {  	_ =	swait.ge [sflag:s19], $0x2000  }
0x9a: {  	[sflag:s19] =	ssyncset.done $0x0  }
0x9b: {  	s1 =	simm.s32 @!p1 $0x2;
	[sflag:s19] =	ssyncadd.s32 $0xFFFFE000  }
0x9c: {  	_ =	swait.ge @!p1 [sflag:s1], $0x2000  }
0x9d: {  	[sflag:s1] =	ssyncset.done @!p1 $0x0  }
0x9e: {  	s31 =	simm.s32 $0x0;
	[sflag:s1] =	ssyncadd.s32 @!p1 $0xFFFFE000  }
0x9f: {  	v1 =	vld [tilespmem:s31+$0xC470]  }
0xa0: {  	v5 =	vld [tilespmem:s31+$0xC400]  }
0xa1: {  	v6 =	vld [tilespmem:s31+$0xC410]  }
0xa2: {  	v4 =	vld [tilespmem:s31+$0xC420]  }
0xa3: {  	v3 =	vld [tilespmem:s31+$0xC430]  }
0xa4: {  	v0 =	vld [tilespmem:s31+$0xC440];
	v7 =	vmul.f32 $8.000000000e+00, v1  }
0xa5: {  	v1 =	vld [tilespmem:s31+$0xC450];
	v5 =	vmul.f32 $8.000000000e+00, v5  }
0xa6: {  	s30 =	simm.s32 $0x80;
	s1 =	simm.s32 $0x400;
	v2 =	vld [tilespmem:s31+$0xC460];
	v6 =	vmul.f32 $8.000000000e+00, v6;
	[tilespmem:s31+$0x14470] =	vst v7  }
.LBB2_9:
0xa7: {  	p1 =	sne.s32 s1, $0x7E00;
	v7 =	vld [tilespmem:s30+$0xC470];
	[tilespmem:s31+$0x14400] =	vst v5;
	v4 =	vmul.f32 $8.000000000e+00, v4  }
0xa8: {  	v5 =	vld [tilespmem:s30+$0xC400];
	[tilespmem:s31+$0x14410] =	vst v6;
	v3 =	vmul.f32 $8.000000000e+00, v3  }
0xa9: {  	v6 =	vld [tilespmem:s30+$0xC410];
	[tilespmem:s31+$0x14420] =	vst v4;
	v0 =	vmul.f32 $8.000000000e+00, v0  }
.Ltmp3:
0xaa: {  	v4 =	vld [tilespmem:s30+$0xC420];
	[tilespmem:s31+$0x14430] =	vst v3;
	v1 =	vmul.f32 $8.000000000e+00, v1;
	(pc) =	sbr.rel @p1 .LBB2_9-.Ltmp3, $4  }
0xab: {  	v3 =	vld [tilespmem:s30+$0xC430];
	[tilespmem:s31+$0x14440] =	vst v0;
	v2 =	vmul.f32 $8.000000000e+00, v2  }
0xac: {  	v0 =	vld [tilespmem:s30+$0xC440];
	v7 =	vmul.f32 $8.000000000e+00, v7;
	[tilespmem:s31+$0x14450] =	vst v1  }
0xad: {  	v5 =	vmul.f32 $8.000000000e+00, v5;
	v1 =	vld [tilespmem:s30+$0xC450];
	[tilespmem:s31+$0x14460] =	vst v2;
	s31 =	smov.u32 s30  }
0xae: {  	s30 =	sshra.s32 s1, $0x2;
	s1 =	sadd.s32 $0x200, s1;
	v6 =	vmul.f32 $8.000000000e+00, v6;
	v2 =	vld [tilespmem:s31+$0xC460];
	[tilespmem:s31+$0x14470] =	vst v7  }
0xaf: {  	v7 =	vld [tilespmem:s30+$0xC470];
	[tilespmem:s31+$0x14400] =	vst v5;
	v4 =	vmul.f32 $8.000000000e+00, v4  }
0xb0: {  	v5 =	vld [tilespmem:s30+$0xC400];
	[tilespmem:s31+$0x14410] =	vst v6;
	v3 =	vmul.f32 $8.000000000e+00, v3  }
0xb1: {  	v6 =	vld [tilespmem:s30+$0xC410];
	[tilespmem:s31+$0x14420] =	vst v4;
	v0 =	vmul.f32 $8.000000000e+00, v0  }
0xb2: {  	v4 =	vld [tilespmem:s30+$0xC420];
	[tilespmem:s31+$0x14430] =	vst v3;
	v1 =	vmul.f32 $8.000000000e+00, v1  }
0xb3: {  	v3 =	vld [tilespmem:s30+$0xC430];
	[tilespmem:s31+$0x14440] =	vst v0;
	v2 =	vmul.f32 $8.000000000e+00, v2  }
0xb4: {  	v0 =	vld [tilespmem:s30+$0xC440];
	[tilespmem:s31+$0x14450] =	vst v1;
	v7 =	vmul.f32 $8.000000000e+00, v7  }
0xb5: {  	v1 =	vld [tilespmem:s30+$0xC450];
	[tilespmem:s31+$0x14460] =	vst v2;
	v60 =	vmul.f32 $8.000000000e+00, v5  }
0xb6: {  	v61 =	vld [tilespmem:s30+$0xC460];
	v6 =	vmul.f32 $8.000000000e+00, v6;
	[tilespmem:s30+$0x14470] =	vst v7  }
0xb7: {  	[tilespmem:s30+$0x14400] =	vst v60;
	v62 =	vmul.f32 $8.000000000e+00, v4  }
0xb8: {  	[tilespmem:s30+$0x14410] =	vst v6;
	v3 =	vmul.f32 $8.000000000e+00, v3  }
0xb9: {  	[tilespmem:s30+$0x14420] =	vst v62;
	v0 =	vmul.f32 $8.000000000e+00, v0  }
0xba: {  	[tilespmem:s30+$0x14430] =	vst v3;
	v1 =	vmul.f32 $8.000000000e+00, v1  }
0xbb: {  	[tilespmem:s30+$0x14440] =	vst v0;
	v63 =	vmul.f32 $8.000000000e+00, v61  }
0xbc: {  	s1 =	sadd.s32 @!p0 $0x380, s29;
	[tilespmem:s30+$0x14450] =	vst v1  }
0xbd: {  	s29 =	simm.s32 @!p0 $0x80;
	s26 =	sadd.s32 $0x1, s26;
	[tilespmem:s30+$0x14460] =	vst v63;
	s30 =	simm.s32 @!p0 $0xC400  }
0xbe: {  	[tilespmem:s30], [sflag:$0x1] =	stream.indirect.gather @!p0 [hbm4b:s5+s29], $0x40, s1, s29, $0xb8;
	[tilespmem:$0x16400] =	vst v63  }
0xbf: {  	p0 =	sne.s32 s26, $0x32  }
.Ltmp4:
0xc0: {  	s31 =	sadd.s32 s28, s9;
	(pc) =	sbr.rel @p0 .LBB2_2-.Ltmp4, $4  }
0xc1: {  	s1 =	sshll.u32 s31, $0xA  }
0xc2: {  	s1 =	sand.u32 $0x1FFFFC00, s1  }
0xc3: {  	s1 =	sadd.s32 s2, s1  }
0xc4: {  	[hbm4b:s1+s3] =	stream.linear.scatter [tilespmem:s23], [sflag:$0x2], $0x2000, $0x38;
	[tilespmem:$0x16400] =	vst v63  }
0xc5: {  	_ =	swait.ge [sflag:s24], $0x2000  }
0xc6: {  	[sflag:s24] =	ssyncset.done $0x0  }
0xc7: {  	[sflag:s24] =	ssyncadd.s32 $0xFFFFE000  }
0xc8: {  	_ =	swait.ge [sflag:s24], $0x2000  }
0xc9: {  	[sflag:s24] =	ssyncset.done $0x0  }
0xca: {  	s25 =	sadd.s32 $0x1, s25;
	[sflag:s24] =	ssyncadd.s32 $0xFFFFE000  }
0xcb: {  	p0 =	sne.s32 s25, s10;
	_ =	swait.ge [sflag:s24], $0x2000  }
.Ltmp5:
0xcc: {  	[sflag:s24] =	ssyncset.done $0x0;
	(pc) =	sbr.rel @p0 .LBB2_1-.Ltmp5, $4  }
0xcd: {  	[sflag:s24] =	ssyncadd.s32 $0xFFFFE000  }
0xce: {  	_ =	swait.ge [sflag:s24], $0x2000  }
0xcf: {  	[sflag:s24] =	ssyncset.done $0x0  }
0xd0: {  	[sflag:s24] =	ssyncadd.s32 $0xFFFFE000  }
0xd1: {  	_ =	sfence.sel $0x180000  }
0xd2: {  	[bflag:$0x0] =	sbarrier.arrive $0xFFFF  }
0xd3: {  	_ =	strace $0x90000047  }
0xd4: {  	[bflag:$0x2] =	sbarrier.arrive $0xFFFF  }
0xd5: {  	p0 =	sne.s32 s0, $0x0;
	s0 =	rddreg [dreg:$0x2]  }
0xd6: {  	s0 =	sadd.s32 @!p0 $0x100000, s0  }
0xd7: {  	[sflag:s0] =	ssyncadd.tile.s32 @!p0 $0x1;
	_ =	shalt  }
.Lfunc_end2:
_tile_overlayer_lowered:
.L_overlay_start_2:
0xd8: {  	(tag) =	ssettag $0x2  }
0xd9: {  	s0 =	rddreg [dreg:$0x0];
	s2 =	stileid.u32  }
0xda: {  	s1 =	rddreg [dreg:$0x1];
	p0 =	sne.s32 s2, $0x0  }
0xdb: {  	s3 =	rddreg [dreg:$0x2];
	[bflag:$0x3] =	sbarrier.arrive $0xFFFF;
	s2 =	simm.s32 @!p0 $0x1C03  }
0xdc: {  	[timem:s3], [sflag:s2] =	dma.local @!p0 [hbm:s0], s1  }
0xdd: {  	s0 =	simm.s32 @!p0 $0x3  }
0xde: {  	_ =	swait.ge @!p0 [sflag:s0], s1  }
0xdf: {  	s1 =	ssub.s32 @!p0 $0x0, s1;
	[sflag:s0] =	ssyncset.done @!p0 $0x0  }
0xe0: {  	[sflag:s0] =	ssyncadd.s32 @!p0 s1  }
0xe1: {  	[bflag:$0x3] =	sbarrier.arrive $0xFFFF  }
0xe2: {  	_ =	shalt  }

// kernel: sparse-core-data-format-call.cloned.1.call-start
scs
called_computation_lowered:
.L_overlay_start_0:
0x0: {  	s2 =	sld [smem:$0x3FD9]  }
0x1: {  	s3 =	sld [smem:$0x3FFE];
	_ =	sdelay $0x1  }
0x2: {  	s1 =	srdreg.scid  }
0x3: {  	s0 =	sand.u32 $0x1, s1  }
0x4: {  	s18 =	sshll.u32 s0, $0xA;
	s2 =	sadd.s32 s3, s2  }
0x5: {  	s2 =	sadd.s32 s2, s18  }
0x6: {  	[smem:$0x3FC6] =	sst s2  }
0x7: {  	_ = 	snop  }
0x8: {  	s2 =	sld [smem:$0x3FD0];
	(tm) =	ssettm $0x1  }
0x9: {  	s19 =	sld [smem:$0x3FFB];
	_ =	sdelay $0x3  }
0xa: {  	_ =	strace s19  }
0xb: {  	s3 =	sld [smem:$0x3FFC];
	_ =	sdelay $0x3  }
0xc: {  	_ =	strace s3  }
0xd: {  	s3 =	sld [smem:$0x3FFD];
	_ =	sdelay $0x3  }
0xe: {  	_ =	strace s3  }
0xf: {  	_ =	strace $0x8FFFFFFF  }
0x10: {  	s20 =	sld [smem:$0x3FDB];
	_ =	sdelay $0x1  }
0x11: {  	s4 =	simm.s32 $_scs_section_size  }
0x12: {  	s5 =	simm.s32 $_size__tile_overlayer_lowered;
	s6 =	simm.s32 $_tile_overlayer_lowered  }
0x13: {  	s23 =	simm.s32 $0x1BFF;
	s22 =	sshll.u32 s6, $0x1;
	s3 =	sadd.s32 s4, s20  }
0x14: {  	s7 =	simm.s32 $0x0;
	s21 =	sshll.u32 s5, $0x1;
	s5 =	sadd.s32 s22, s3  }
0x15: {  	[timem:s7], [sflag:s23] =	dma.local [hbm:s5], s21  }
0x16: {  	_ =	swait.ge [sflag:s23], s21  }
0x17: {  	s4 =	ssub.s32 $0x0, s21;
	[sflag:s23] =	ssyncset.done $0x0  }
0x18: {  	[sflag:s23] =	ssyncadd.s32 s4;
	_ =	sdelay $0x1  }
0x19: {  	s24 =	simm.s32 $0x1B8B  }
0x1a: {  	_ =	swait.ge [sflag:s24], $0x1  }
0x1b: {  	[sflag:s24] =	ssyncset.done $0x0  }
0x1c: {  	s26 =	simm.s32 $0x1B8E;
	s25 =	sld [smem:$0x3FFE];
	[sflag:s24] =	ssyncadd.s32 $0xFFFFFFFF  }
0x1d: {  	s27 =	simm.s32 $execute0_lowered;
	[smem:$0x3FD2] =	sst s26  }
0x1e: {  	s5 =	sshll.u32 s27, $0x1;
	_ =	strace $0x80000049;
	[dreg:$0x1] =	wrdreg $0xFFFFFFFF  }
0x1f: {  	s28 =	simm.s32 $_size_execute0_lowered;
	s3 =	sadd.s32 s3, s5;
	[dreg:$0x0] =	wrdreg $0x0  }
0x20: {  	s5 =	sshll.u32 s28, $0x1;
	[dreg:$0x2] =	wrdreg s3  }
0x21: {  	[dreg:$0x3] =	wrdreg s5  }
0x22: {  	[dreg:$0x4] =	wrdreg $0xC0  }
0x23: {  	_ =	task [dreg:s7], $0x5FFFF  }
0x24: {  	[dreg:$0x1] =	wrdreg $0xFFFFFFFF  }
0x25: {  	[dreg:$0x0] =	wrdreg $0x60  }
0x26: {  	[dreg:$0x2] =	wrdreg s25  }
0x27: {  	[dreg:$0x3] =	wrdreg s2  }
0x28: {  	[dreg:$0x4] =	wrdreg $0x9  }
0x29: {  	_ =	task.clear_ibuf [dreg:s7], $0x5FFFF;
	_ =	strace $0x90000049  }
0x2a: {  	s29 =	simm.s32 $0x9;
	_ =	strace $0x8000004B  }
0x2b: {  	_ =	swait.ge [sflag:s29], $0x1  }
0x2c: {  	[sflag:s29] =	ssyncadd.s32 $0xFFFFFFFF  }
0x2d: {  	_ =	strace $0x9000004B  }
0x2e: {  	_ =	sfence  }
0x2f: {  	s30 =	sld [smem:$0x0];
	_ =	sdelay $0x2  }
0x30: {  	s31 =	sshll.u32 s1, $0xD;
	s1 =	sshrl.u32 s1, $0x2  }
0x31: {  	s3 =	sand.u32 $0x4000, s31;
	s1 =	sadd.s32 s1, s30  }
0x32: {  	s0 =	sor.u32 s3, s0;
	s1 =	sshll.u32 s1, $0x11  }
0x33: {  	s0 =	sor.u32 s1, s0  }
0x34: {  	s0 =	sadd.s32 $0x8F2B, s0  }
0x35: {  	[sflag:s0] =	ssyncadd.remote.s32 $0x1  }
0x36: {  	_ =	sfence.sel $0xFFFF  }
0x37: {  	[dreg:$0x0] =	wrdreg $0xFFFFFFFF;
	(pc) =	sbr.abs _section_cstart, $3  }
0x38: {  	[dreg:$0x1] =	wrdreg $0xFFFFFFFF  }
0x39: {  	_ =	task.clear_ibuf [dreg:s7], $0x2FFFF;
	_ =	strace $0x9FFFFFFF  }
0x3a: {  	(tm) =	ssettm $0x7FFFFFFF  }
0x3b: {  	_ =	shalt  }
tec
execute0_lowered:
.L_overlay_start_1:
0x0: {  	(tag) =	ssettag $0x1  }
0x1: {  	s0 =	srdreg.scid  }
0x2: {  	s1 =	sshll.u32 s0, $0x4  }
0x3: {  	s0 =	stileid.u32;
	s1 =	sand.u32 $0x10, s1  }
0x4: {  	s1 =	sor.u32 s0, s1  }
0x5: {  	s6 =	rddreg [dreg:$0x0];
	s4 =	simm.s32 $0x1;
	s2 =	sshll.u32 s1, $0x7  }
0x6: {  	s7 =	simm.s32 $0x2;
	s12 =	simm.s32 $0x0;
	s1 =	ssub.s32 $0x4000, s2  }
0x7: {  	s8 =	simm.s32 $0x20000;
	s13 =	simm.s32 $0x0;
	s3 =	sand.u32 $0xF80, s1  }
0x8: {  	s9 =	simm.s32 $0x0;
	s5 =	sshrl.u32 s1, $0xC;
	p0 =	sne.s32 s3, $0x0  }
.Ltmp0:
0x9: {  	s1 =	rddreg [dreg:$0x2];
	s4 =	simm.s32 @!p0 $0x0;
	(pc) =	sbr.rel .LBB1_1-.Ltmp0, $4  }
0xa: {  	s11 =	simm.s32 $0x0;
	s3 =	rddreg [dreg:$0x1];
	s5 =	sadd.s32 s4, s5  }
0xb: {  	_ =	strace $0x8000004A;
	s4 =	simm.s32 $0x1;
	s5 =	smul.u32 $0x32, s5  }
0xc: {  	s6 =	sadd.s32 $0xA00, s6;
	s10 =	smov.u32 s2;
	[sflag:s4] =	ssyncpa.u1 $0x0  }
0xd: {  	p0 =	por $0x0, $0x0;
	[sflag:s7] =	ssyncpa.u1 $0x0;
	s7 =	sor.u32 $0x1, s5  }
.LBB1_4:
0xe: {  	s16 =	sshll.u32 s13, $0x3;
	s17 =	sand.u32 $0x78, s13  }
0xf: {  	s30 =	sand.u32 $0x1F800, s13;
	s12 =	sshll.u32 s12, $0x11;
	s16 =	sand.u32 $0x3C00, s16  }
0x10: {  	[tilespmem:s15+$0x810 ss:$0x81] =	vst.msk $0xffff, v2;
	s31 =	sand.u32 $0x7, s13;
	s16 =	sor.u32 s17, s16;
	s17 =	sadd.s32 s3, s30  }
0x11: {  	[tilespmem:s15+$0x1020 ss:$0x81] =	vst.msk $0xffff, v0;
	s13 =	sshll.u32 s31, $0x12;
	s12 =	sadd.s32 s12, s17;
	s16 =	sshrl.u32 s16, $0x3  }
0x12: {  	[tilespmem:s15+$0x0 ss:$0x81] =	vst.msk $0xffff, v1;
	s13 =	sor.u32 $0x400, s13;
	s12 =	sadd.s32 s16, s12  }
0x13: {  	[hbm4b:s12+s13] =	stream.strided.scatter [tilespmem:s14], [sflag:$0x2], $0x2000, s8, s13, $0x20;
	[tilespmem:$0x8080] =	vst v63  }
.LBB1_5:
0x14: {  	s14 =	sadd.s32 $0x1, s9  }
0x15: {  	s12 =	sadd.s32 $0x1000, s10;
	s16 =	smov.u32 s10;
	p2 =	sgt.s32 s14, $0x31  }
0x16: {  	s16 =	smov.u32 @p2 s12  }
0x17: {  	s14 =	simm.s32 @p2 $0x0;
	p2 =	sgt.s32 s16, $0x3FFF  }
0x18: {  	s16 =	smov.u32 @p2 s2;
	p2 =	sne.s32 s11, s7  }
.Ltmp1:
0x19: {  	p1 =	slt.u32 s11, $0x2;
	(pc) =	sbr.rel @!p2 .LBB1_6-.Ltmp1, $4  }
0x1a: {  	s15 =	simm.s32 @!p1 $0x2  }
0x1b: {  	s13 =	smov.u32 s10;
	p0 =	por !p0, !p0;
	_ =	swait.ge @!p1 [sflag:s15], $0x2000  }
0x1c: {  	s12 =	smov.u32 s9;
	[sflag:s15] =	ssyncset.done @!p1 $0x0;
	s9 =	smov.u32 s14  }
0x1d: {  	s11 =	sadd.s32 $0x1, s11;
	[sflag:s15] =	ssyncadd.s32 @!p1 $0xFFFFE000;
	s10 =	smov.u32 s16  }
.LBB1_1:
0x1e: {  	p1 =	sge.u32 s11, s5  }
0x1f: {  	s14 =	sand.u32 @!p1 $0x1FFFFFF, s9  }
0x20: {  	s15 =	smulhi.u32 @!p1 $0x4924925, s14;
	_ =	sdelay $0x1  }
0x21: {  	s15 =	smul.u32 @!p1 $0x38, s15  }
0x22: {  	s16 =	sxor.u32 @!p1 $0xFFFFFFFF, s11;
	s17 =	smul.u32 @!p1 $0x380, s10  }
0x23: {  	s31 =	sadd.s32 $0xFFFFFFFF, s11;
	s16 =	sshll.u32 @!p1 s16, $0xD;
	s14 =	ssub.s32 @!p1 s14, s15  }
0x24: {  	s15 =	sand.u32 @!p1 $0x2000, s16;
	s16 =	sadd.s32 @!p1 s6, s17;
	s14 =	sshll.u32 @!p1 s14, $0x4  }
0x25: {  	s17 =	simm.s32 @!p1 $0x1C00;
	s14 =	sadd.s32 @!p1 s14, s16;
	s16 =	simm.s32 @!p1 $0x40  }
0x26: {  	[tilespmem:s15], [sflag:$0x1] =	stream.strided.gather @!p1 [hbm4b:s14+s16], $0x2000, s17, s16, $0x38;
	[tilespmem:$0x8080] =	vst v63  }
0x27: {  	p1 =	sge.u32 s31, s5  }
.Ltmp2:
0x28: {  	_ = 	snop;
	(pc) =	sbr.rel @p1 .LBB1_5-.Ltmp2, $1  }
0x29: {  	_ =	sdelay $0x3  }
0x2a: {  	s14 =	simm.s32 $0x1  }
0x2b: {  	_ =	swait.ge [sflag:s4], $0x2000;
	s14 =	simm.s32 @!p0 $0x0  }
0x2c: {  	[sflag:s4] =	ssyncset.done $0x0;
	s15 =	sshll.u32 s14, $0xD  }
0x2d: {  	[sflag:s4] =	ssyncadd.s32 $0xFFFFE000;
	s18 =	sor.u32 $0x20, s15  }
0x2e: {  	s14 =	smul.u32 $0x8100, s14;
	v3 =	vld [tilespmem:s18+$0x10]  }
0x2f: {  	s30 =	sand.u32 $0x1, s11;
	v2 =	vld [tilespmem:s18+$0xFFFFFFF0]  }
0x30: {  	s15 =	smul.u32 $0x8100, s30;
	s14 =	sshrl.u32 s14, $0x2;
	v0 =	vld [tilespmem:s18+$0x0]  }
0x31: {  	v1 =	vld [tilespmem:s18+$0xFFFFFFE0];
	s16 =	sor.u32 $0x4000, s14  }
0x32: {  	s31 =	sshrl.u32 s15, $0x2;
	s15 =	sadd.s32 $0x0, s16  }
0x33: {  	s17 =	simm.s32 $0x4;
	s18 =	sadd.s32 $0x40, s18;
	s14 =	sor.u32 $0x4000, s31;
	[tilespmem:s15+$0x1830 ss:$0x81] =	vst.msk $0xffff, v3  }
.LBB1_3:
0x34: {  	v3 =	vld [tilespmem:s18+$0x10];
	p1 =	sne.s32 s17, $0x1FC;
	[tilespmem:s15+$0x810 ss:$0x81] =	vst.msk $0xffff, v2;
	s19 =	smov.u32 s17;
	s17 =	sadd.s32 $0x4, s17  }
.Ltmp3:
0x35: {  	v2 =	vld [tilespmem:s18+$0xFFFFFFF0];
	[tilespmem:s15+$0x1020 ss:$0x81] =	vst.msk $0xffff, v0;
	(pc) =	sbr.rel @p1 .LBB1_3-.Ltmp3, $4  }
0x36: {  	v0 =	vld [tilespmem:s18+$0x0];
	[tilespmem:s15+$0x0 ss:$0x81] =	vst.msk $0xffff, v1  }
0x37: {  	s15 =	sshra.s32 s19, $0x2;
	v1 =	vld [tilespmem:s18+$0xFFFFFFE0]  }
0x38: {  	s15 =	sadd.s32 s15, s16  }
0x39: {  	s18 =	sadd.s32 $0x40, s18;
	[tilespmem:s15+$0x1830 ss:$0x81] =	vst.msk $0xffff, v3  }
.Ltmp4:
0x3a: {  	_ = 	snop;
	(pc) =	sbr.rel .LBB1_4-.Ltmp4, $1  }
0x3b: {  	_ =	sdelay $0x3  }
.LBB1_6:
0x3c: {  	_ =	sfence.sel $0x180000  }
0x3d: {  	s2 =	simm.s32 $0x1;
	[bflag:$0x0] =	sbarrier.arrive $0xFFFF  }
0x3e: {  	s31 =	simm.s32 $0x2;
	[sflag:s2] =	ssyncpa.u1 $0x1  }
0x3f: {  	[sflag:s31] =	ssyncpa.u1 $0x1  }
0x40: {  	p0 =	sne.s32 s0, $0x0;
	_ =	strace $0x9000004A  }
0x41: {  	s0 =	sadd.s32 @!p0 $0x100000, s1;
	[bflag:$0x2] =	sbarrier.arrive $0xFFFF  }
0x42: {  	[sflag:s0] =	ssyncadd.tile.s32 @!p0 $0x1;
	_ =	shalt  }
.Lfunc_end1:
_tile_overlayer_lowered:
.L_overlay_start_2:
0x43: {  	(tag) =	ssettag $0x2  }
0x44: {  	s0 =	rddreg [dreg:$0x0];
	s2 =	stileid.u32  }
0x45: {  	s1 =	rddreg [dreg:$0x1];
	p0 =	sne.s32 s2, $0x0  }
0x46: {  	s3 =	rddreg [dreg:$0x2];
	[bflag:$0x3] =	sbarrier.arrive $0xFFFF;
	s2 =	simm.s32 @!p0 $0x1C01  }
0x47: {  	[timem:s3], [sflag:s2] =	dma.local @!p0 [hbm:s0], s1  }
0x48: {  	s0 =	simm.s32 @!p0 $0x1  }
0x49: {  	_ =	swait.ge @!p0 [sflag:s0], s1  }
0x4a: {  	s1 =	ssub.s32 @!p0 $0x0, s1;
	[sflag:s0] =	ssyncset.done @!p0 $0x0  }
0x4b: {  	[sflag:s0] =	ssyncadd.s32 @!p0 s1  }
0x4c: {  	[bflag:$0x3] =	sbarrier.arrive $0xFFFF  }
0x4d: {  	_ =	shalt  }

</sc_bundles>
